<compile_context>
chip_gen: v7x
topology: tpu7x:2x2x1
jax: 0.10.2.dev20260603
libtpu: 0.0.44.dev20260713+nightly
codegen_flags: <defaults>
</compile_context>

<pallas_src>
import functools

import jax
import jax.numpy as jnp
from jax import lax
from jax.experimental import pallas as pl
from jax.experimental.pallas import tpu as pltpu
from jax.experimental.pallas import tpu_sc as plsc

_L = 16


def _gather_call(B, V, D, NC, NS):
    NW = NC * NS
    n = B // NW
    G = n // _L
    mesh = plsc.VectorSubcoreMesh(core_axis_name="c", subcore_axis_name="s")

    @functools.partial(
        pl.kernel,
        mesh=mesh,
        out_type=jax.ShapeDtypeStruct((B // _L, _L, D), jnp.float32),
        scratch_types=[
            pltpu.VMEM((G, _L), jnp.int32),
            pltpu.VMEM((G, _L, D), jnp.float32),
            [pltpu.SemaphoreType.DMA] * 2,
        ],
        compiler_params=pltpu.CompilerParams(needs_layout_passes=False),
    )
    def body(idx_hbm, table_hbm, out_hbm, idx_v, rows_v, sems):
        wid = lax.axis_index("s") * NC + lax.axis_index("c")
        base = wid * G
        pltpu.sync_copy(idx_hbm.at[wid], idx_v)
        iota = lax.iota(jnp.int32, _L)
        H = G // 2

        def group(g, _, sem=None):
            vec = idx_v[g]
            for j in range(_L):
                i = jnp.sum(jnp.where(iota == j, vec, 0))
                pltpu.make_async_copy(
                    table_hbm.at[i >> 4, i & 15],
                    rows_v.at[g, j],
                    sem,
                ).start()
            return 0

        lax.fori_loop(0, H, functools.partial(group, sem=sems[0]), 0)
        lax.fori_loop(H, G, functools.partial(group, sem=sems[1]), 0)
        pltpu.make_async_copy(
            table_hbm.at[pl.ds(0, H)], rows_v.at[pl.ds(0, H)], sems[0]
        ).wait()
        pltpu.sync_copy(rows_v.at[pl.ds(0, H)], out_hbm.at[pl.ds(base, H)])
        pltpu.make_async_copy(
            table_hbm.at[pl.ds(0, H)], rows_v.at[pl.ds(H, H)], sems[1]
        ).wait()
        pltpu.sync_copy(rows_v.at[pl.ds(H, H)], out_hbm.at[pl.ds(base + H, H)])

    return body


def kernel(e, params):
    B = e.shape[0]
    V, D = params.shape
    info = plsc.get_sparse_core_info()
    NC, NS = info.num_cores, info.num_subcores
    NW = NC * NS
    idx = e.astype(jnp.int32).reshape(NW, (B // NW) // _L, _L)
    table3 = params.reshape(V // _L, _L, D)
    out = _gather_call(B, V, D, NC, NS)(idx, table3)
    return out.reshape(B, D)

# --- scband reference (transcript-rebuilt; emitter-appended) ---
"""Pipeline reference for scband-context-params-78709570667473 (READ-ONLY COPY).

The authoritative reference and input builder live on the scoring server;
editing this copy changes nothing except your own understanding.
"""

import jax, jax.numpy as jnp
import numpy as np

NB_ENVS = 1000000
CONTEXT_SIZE = 64
BATCH = 16384

def setup_inputs(seed: int = 0) -> dict:
    key = jax.random.key(seed)
    k_idx, k_params = jax.random.split(key)
    e = jax.random.randint(k_idx, (BATCH,), 0, NB_ENVS, dtype=jnp.int64 if jax.config.jax_enable_x64 else jnp.int32)
    params = jax.random.normal(k_params, (NB_ENVS, CONTEXT_SIZE), dtype=jnp.float32)
    return {"e": e, "params": params}

def reference(e, params):
    # Faithful translation of ContextParams.__call__: return self.params[e, :]
    return params[e, :]

if __name__ == "__main__":
    import jax
    _d = setup_inputs()
    print(jax.jit(kernel)(*tuple(_d.values())))

</pallas_src>

<mosaic_0001>
#map = affine_map<(d0, d1) -> (0, 0, 0)>
module attributes {stable_mosaic.version = 14 : i64} {
  func.func @body(%arg0: i32, %arg1: i32, %arg2: memref<32x32x16xi32, #tpu.memory_space<hbm>>, %arg3: memref<62500x16x64xf32, #tpu.memory_space<hbm>>, %arg4: memref<1024x16x64xf32, #tpu.memory_space<hbm>>, %arg5: memref<32x16xi32, #tpu.memory_space<vmem>>, %arg6: memref<32x16x64xf32, #tpu.memory_space<vmem>>, %arg7: memref<!tpu.dma_semaphore, #tpu.memory_space<semaphore_mem>>, %arg8: memref<!tpu.dma_semaphore, #tpu.memory_space<semaphore_mem>>) attributes {dimension_semantics = [#tpu.dimension_semantics<core_parallel>, #tpu.dimension_semantics<subcore_parallel>], iteration_bounds = array<i64: 2, 16>, scalar_prefetch = 0 : i64, scratch_operands = 4 : i64, tpu.core_type = #tpu.core_type<sc_vector_subcore>, window_params = [{transform_indices = #map}, {transform_indices = #map}, {transform_indices = #map}]} {
    %mul3A = arith.constant 2 : i32
    %mul3A_0 = arith.muli %arg1, %mul3A : i32
    %add3A = arith.addi %mul3A_0, %arg0 : i32
    %mul3A_1 = arith.constant 32 : i32
    %mul3A_2 = arith.muli %add3A, %mul3A_1 : i32
    "tpu.region"() ({
      %run_scoped3A = tpu.sem_alloc : memref<!tpu.dma_semaphore, #tpu.memory_space<semaphore_mem>>
      %dma_start3A = arith.constant 0 : i32
      %dma_start3A_49 = arith.constant 0 : i32
      %dma_start3A_50 = tpu.memref_slice %arg2[%add3A, %dma_start3A, %dma_start3A_49] : memref<32x32x16xi32, #tpu.memory_space<hbm>> -> memref<1x32x16xi32, #tpu.memory_space<hbm>>
      %dma_start3A_51 = tpu.memref_squeeze %dma_start3A_50 : memref<1x32x16xi32, #tpu.memory_space<hbm>> -> memref<32x16xi32, #tpu.memory_space<hbm>>
      %dma_start3A_52 = arith.constant 0 : i32
      %dma_start3A_53 = arith.constant 0 : i32
      %dma_start3A_54 = tpu.memref_slice %arg2[%add3A, %dma_start3A_52, %dma_start3A_53] : memref<32x32x16xi32, #tpu.memory_space<hbm>> -> memref<1x32x16xi32, #tpu.memory_space<hbm>>
      %dma_start3A_55 = tpu.memref_squeeze %dma_start3A_54 : memref<1x32x16xi32, #tpu.memory_space<hbm>> -> memref<32x16xi32, #tpu.memory_space<hbm>>
      tpu.enqueue_dma source(%dma_start3A_55 : memref<32x16xi32, #tpu.memory_space<hbm>>) target(%arg5 : memref<32x16xi32, #tpu.memory_space<vmem>>) target_semaphore(%run_scoped3A : memref<!tpu.dma_semaphore, #tpu.memory_space<semaphore_mem>>)
      %dma_wait3A_56 = arith.constant 0 : i32
      %dma_wait3A_57 = arith.constant 0 : i32
      %dma_wait3A_58 = tpu.memref_slice %arg2[%add3A, %dma_wait3A_56, %dma_wait3A_57] : memref<32x32x16xi32, #tpu.memory_space<hbm>> -> memref<1x32x16xi32, #tpu.memory_space<hbm>>
      %dma_wait3A_59 = tpu.memref_squeeze %dma_wait3A_58 : memref<1x32x16xi32, #tpu.memory_space<hbm>> -> memref<32x16xi32, #tpu.memory_space<hbm>>
      %dma_wait3A_60 = arith.constant 0 : i32
      %dma_wait3A_61 = arith.constant 0 : i32
      %dma_wait3A_62 = tpu.memref_slice %arg2[%add3A, %dma_wait3A_60, %dma_wait3A_61] : memref<32x32x16xi32, #tpu.memory_space<hbm>> -> memref<1x32x16xi32, #tpu.memory_space<hbm>>
      %dma_wait3A_63 = tpu.memref_squeeze %dma_wait3A_62 : memref<1x32x16xi32, #tpu.memory_space<hbm>> -> memref<32x16xi32, #tpu.memory_space<hbm>>
      tpu.wait_dma2 semaphore(%run_scoped3A : memref<!tpu.dma_semaphore, #tpu.memory_space<semaphore_mem>>) src(%dma_wait3A_63 : memref<32x16xi32, #tpu.memory_space<hbm>>) dst(%arg5 : memref<32x16xi32, #tpu.memory_space<vmem>>)
      tpu.yield
    }) : () -> ()
    %iota3A = tpu.iota {dimensions = array<i32: 0>} : vector<16xi32>
    %scan3A = arith.constant 0 : i32
    %scan3A_3 = arith.constant 0 : i32
    %scan3A_4 = arith.constant 16 : i32
    %scan3A_5 = arith.addi %scan3A_3, %scan3A_4 : i32
    %scan3A_6 = arith.constant 1 : i32
    %scan3A_7 = scf.for %scan3A_49 = %scan3A_3 to %scan3A_5 step %scan3A_6 iter_args(%scan3A_50 = %scan3A) -> (i32)  : i32 {
      %get3A = arith.index_cast %scan3A_49 : i32 to index
      %get3A_51 = arith.constant 0 : index
      %get3A_52 = tpu.vector_load %arg5[%get3A, %get3A_51] {strides = array<i32>} : memref<32x16xi32, #tpu.memory_space<vmem>>, vector<16xi32>,
      %eq3A = arith.constant 0 : i32
      %eq3A_53 = vector.broadcast %eq3A : i32 to vector<16xi32>
      %eq3A_54 = arith.cmpi eq, %iota3A, %eq3A_53 : vector<16xi32>
      %jit3A = arith.constant 0 : i32
      %broadcast_in_dim3A = vector.broadcast %jit3A : i32 to vector<16xi32>
      %select_n3A = arith.select %eq3A_54, %get3A_52, %broadcast_in_dim3A : vector<16xi1>, vector<16xi32>
      %reduce_sum3A = arith.constant true
      %reduce_sum3A_55 = vector.broadcast %reduce_sum3A : i1 to vector<16xi1>
      %reduce_sum3A_56 = tpu.scan <sum>, %select_n3A masked %reduce_sum3A_55 : vector<16xi32>, vector<16xi1> -> vector<16xi32>
      %reduce_sum3A_57 = vector.extract %reduce_sum3A_56[15] : i32 from vector<16xi32>
      %shift_right_arithmetic3A = arith.constant 4 : i32
      %shift_right_arithmetic3A_58 = arith.shrsi %reduce_sum3A_57, %shift_right_arithmetic3A : i32
      %and3A = arith.constant 15 : i32
      %and3A_59 = arith.andi %reduce_sum3A_57, %and3A : i32
      %dma_start3A = arith.constant 0 : i32
      %dma_start3A_60 = arith.constant 0 : i32
      %dma_start3A_61 = tpu.memref_slice %arg6[%scan3A_49, %dma_start3A, %dma_start3A_60] : memref<32x16x64xf32, #tpu.memory_space<vmem>> -> memref<1x1x64xf32, #tpu.memory_space<vmem>>
      %dma_start3A_62 = tpu.memref_squeeze %dma_start3A_61 : memref<1x1x64xf32, #tpu.memory_space<vmem>> -> memref<64xf32, #tpu.memory_space<vmem>>
      %dma_start3A_63 = arith.constant 0 : i32
      %dma_start3A_64 = tpu.memref_slice %arg3[%shift_right_arithmetic3A_58, %and3A_59, %dma_start3A_63] : memref<62500x16x64xf32, #tpu.memory_space<hbm>> -> memref<1x1x64xf32, #tpu.memory_space<hbm>>
      %dma_start3A_65 = tpu.memref_squeeze %dma_start3A_64 : memref<1x1x64xf32, #tpu.memory_space<hbm>> -> memref<64xf32, #tpu.memory_space<hbm>>
      %dma_start3A_66 = arith.constant 0 : i32
      %dma_start3A_67 = tpu.memref_slice %arg6[%scan3A_49, %dma_start3A, %dma_start3A_66] : memref<32x16x64xf32, #tpu.memory_space<vmem>> -> memref<1x1x64xf32, #tpu.memory_space<vmem>>
      %dma_start3A_68 = tpu.memref_squeeze %dma_start3A_67 : memref<1x1x64xf32, #tpu.memory_space<vmem>> -> memref<64xf32, #tpu.memory_space<vmem>>
      %dma_start3A_69 = arith.constant 0 : i32
      %dma_start3A_70 = tpu.memref_slice %arg3[%shift_right_arithmetic3A_58, %and3A_59, %dma_start3A_69] : memref<62500x16x64xf32, #tpu.memory_space<hbm>> -> memref<1x1x64xf32, #tpu.memory_space<hbm>>
      %dma_start3A_71 = tpu.memref_squeeze %dma_start3A_70 : memref<1x1x64xf32, #tpu.memory_space<hbm>> -> memref<64xf32, #tpu.memory_space<hbm>>
      tpu.enqueue_dma source(%dma_start3A_71 : memref<64xf32, #tpu.memory_space<hbm>>) target(%dma_start3A_68 : memref<64xf32, #tpu.memory_space<vmem>>) target_semaphore(%arg7 : memref<!tpu.dma_semaphore, #tpu.memory_space<semaphore_mem>>)
      %eq3A_72 = arith.constant 1 : i32
      %eq3A_73 = vector.broadcast %eq3A_72 : i32 to vector<16xi32>
      %eq3A_74 = arith.cmpi eq, %iota3A, %eq3A_73 : vector<16xi32>
      %jit3A_75 = arith.constant 0 : i32
      %broadcast_in_dim3A_76 = vector.broadcast %jit3A_75 : i32 to vector<16xi32>
      %select_n3A_77 = arith.select %eq3A_74, %get3A_52, %broadcast_in_dim3A_76 : vector<16xi1>, vector<16xi32>
      %reduce_sum3A_78 = arith.constant true
      %reduce_sum3A_79 = vector.broadcast %reduce_sum3A_78 : i1 to vector<16xi1>
      %reduce_sum3A_80 = tpu.scan <sum>, %select_n3A_77 masked %reduce_sum3A_79 : vector<16xi32>, vector<16xi1> -> vector<16xi32>
      %reduce_sum3A_81 = vector.extract %reduce_sum3A_80[15] : i32 from vector<16xi32>
      %shift_right_arithmetic3A_82 = arith.constant 4 : i32
      %shift_right_arithmetic3A_83 = arith.shrsi %reduce_sum3A_81, %shift_right_arithmetic3A_82 : i32
      %and3A_84 = arith.constant 15 : i32
      %and3A_85 = arith.andi %reduce_sum3A_81, %and3A_84 : i32
      %dma_start3A_86 = arith.constant 1 : i32
      %dma_start3A_87 = arith.constant 0 : i32
      %dma_start3A_88 = tpu.memref_slice %arg6[%scan3A_49, %dma_start3A_86, %dma_start3A_87] : memref<32x16x64xf32, #tpu.memory_space<vmem>> -> memref<1x1x64xf32, #tpu.memory_space<vmem>>
      %dma_start3A_89 = tpu.memref_squeeze %dma_start3A_88 : memref<1x1x64xf32, #tpu.memory_space<vmem>> -> memref<64xf32, #tpu.memory_space<vmem>>
      %dma_start3A_90 = arith.constant 0 : i32
      %dma_start3A_91 = tpu.memref_slice %arg3[%shift_right_arithmetic3A_83, %and3A_85, %dma_start3A_90] : memref<62500x16x64xf32, #tpu.memory_space<hbm>> -> memref<1x1x64xf32, #tpu.memory_space<hbm>>
      %dma_start3A_92 = tpu.memref_squeeze %dma_start3A_91 : memref<1x1x64xf32, #tpu.memory_space<hbm>> -> memref<64xf32, #tpu.memory_space<hbm>>
      %dma_start3A_93 = arith.constant 0 : i32
      %dma_start3A_94 = tpu.memref_slice %arg6[%scan3A_49, %dma_start3A_86, %dma_start3A_93] : memref<32x16x64xf32, #tpu.memory_space<vmem>> -> memref<1x1x64xf32, #tpu.memory_space<vmem>>
      %dma_start3A_95 = tpu.memref_squeeze %dma_start3A_94 : memref<1x1x64xf32, #tpu.memory_space<vmem>> -> memref<64xf32, #tpu.memory_space<vmem>>
      %dma_start3A_96 = arith.constant 0 : i32
      %dma_start3A_97 = tpu.memref_slice %arg3[%shift_right_arithmetic3A_83, %and3A_85, %dma_start3A_96] : memref<62500x16x64xf32, #tpu.memory_space<hbm>> -> memref<1x1x64xf32, #tpu.memory_space<hbm>>
      %dma_start3A_98 = tpu.memref_squeeze %dma_start3A_97 : memref<1x1x64xf32, #tpu.memory_space<hbm>> -> memref<64xf32, #tpu.memory_space<hbm>>
      tpu.enqueue_dma source(%dma_start3A_98 : memref<64xf32, #tpu.memory_space<hbm>>) target(%dma_start3A_95 : memref<64xf32, #tpu.memory_space<vmem>>) target_semaphore(%arg7 : memref<!tpu.dma_semaphore, #tpu.memory_space<semaphore_mem>>)
      %eq3A_99 = arith.constant 2 : i32
      %eq3A_100 = vector.broadcast %eq3A_99 : i32 to vector<16xi32>
      %eq3A_101 = arith.cmpi eq, %iota3A, %eq3A_100 : vector<16xi32>
      %jit3A_102 = arith.constant 0 : i32
      %broadcast_in_dim3A_103 = vector.broadcast %jit3A_102 : i32 to vector<16xi32>
      %select_n3A_104 = arith.select %eq3A_101, %get3A_52, %broadcast_in_dim3A_103 : vector<16xi1>, vector<16xi32>
      %reduce_sum3A_105 = arith.constant true
      %reduce_sum3A_106 = vector.broadcast %reduce_sum3A_105 : i1 to vector<16xi1>
      %reduce_sum3A_107 = tpu.scan <sum>, %select_n3A_104 masked %reduce_sum3A_106 : vector<16xi32>, vector<16xi1> -> vector<16xi32>
      %reduce_sum3A_108 = vector.extract %reduce_sum3A_107[15] : i32 from vector<16xi32>
      %shift_right_arithmetic3A_109 = arith.constant 4 : i32
      %shift_right_arithmetic3A_110 = arith.shrsi %reduce_sum3A_108, %shift_right_arithmetic3A_109 : i32
      %and3A_111 = arith.constant 15 : i32
      %and3A_112 = arith.andi %reduce_sum3A_108, %and3A_111 : i32
      %dma_start3A_113 = arith.constant 2 : i32
      %dma_start3A_114 = arith.constant 0 : i32
      %dma_start3A_115 = tpu.memref_slice %arg6[%scan3A_49, %dma_start3A_113, %dma_start3A_114] : memref<32x16x64xf32, #tpu.memory_space<vmem>> -> memref<1x1x64xf32, #tpu.memory_space<vmem>>
      %dma_start3A_116 = tpu.memref_squeeze %dma_start3A_115 : memref<1x1x64xf32, #tpu.memory_space<vmem>> -> memref<64xf32, #tpu.memory_space<vmem>>
      %dma_start3A_117 = arith.constant 0 : i32
      %dma_start3A_118 = tpu.memref_slice %arg3[%shift_right_arithmetic3A_110, %and3A_112, %dma_start3A_117] : memref<62500x16x64xf32, #tpu.memory_space<hbm>> -> memref<1x1x64xf32, #tpu.memory_space<hbm>>
      %dma_start3A_119 = tpu.memref_squeeze %dma_start3A_118 : memref<1x1x64xf32, #tpu.memory_space<hbm>> -> memref<64xf32, #tpu.memory_space<hbm>>
      %dma_start3A_120 = arith.constant 0 : i32
      %dma_start3A_121 = tpu.memref_slice %arg6[%scan3A_49, %dma_start3A_113, %dma_start3A_120] : memref<32x16x64xf32, #tpu.memory_space<vmem>> -> memref<1x1x64xf32, #tpu.memory_space<vmem>>
      %dma_start3A_122 = tpu.memref_squeeze %dma_start3A_121 : memref<1x1x64xf32, #tpu.memory_space<vmem>> -> memref<64xf32, #tpu.memory_space<vmem>>
      %dma_start3A_123 = arith.constant 0 : i32
      %dma_start3A_124 = tpu.memref_slice %arg3[%shift_right_arithmetic3A_110, %and3A_112, %dma_start3A_123] : memref<62500x16x64xf32, #tpu.memory_space<hbm>> -> memref<1x1x64xf32, #tpu.memory_space<hbm>>
      %dma_start3A_125 = tpu.memref_squeeze %dma_start3A_124 : memref<1x1x64xf32, #tpu.memory_space<hbm>> -> memref<64xf32, #tpu.memory_space<hbm>>
      tpu.enqueue_dma source(%dma_start3A_125 : memref<64xf32, #tpu.memory_space<hbm>>) target(%dma_start3A_122 : memref<64xf32, #tpu.memory_space<vmem>>) target_semaphore(%arg7 : memref<!tpu.dma_semaphore, #tpu.memory_space<semaphore_mem>>)
      %eq3A_126 = arith.constant 3 : i32
      %eq3A_127 = vector.broadcast %eq3A_126 : i32 to vector<16xi32>
      %eq3A_128 = arith.cmpi eq, %iota3A, %eq3A_127 : vector<16xi32>
      %jit3A_129 = arith.constant 0 : i32
      %broadcast_in_dim3A_130 = vector.broadcast %jit3A_129 : i32 to vector<16xi32>
      %select_n3A_131 = arith.select %eq3A_128, %get3A_52, %broadcast_in_dim3A_130 : vector<16xi1>, vector<16xi32>
      %reduce_sum3A_132 = arith.constant true
      %reduce_sum3A_133 = vector.broadcast %reduce_sum3A_132 : i1 to vector<16xi1>
      %reduce_sum3A_134 = tpu.scan <sum>, %select_n3A_131 masked %reduce_sum3A_133 : vector<16xi32>, vector<16xi1> -> vector<16xi32>
      %reduce_sum3A_135 = vector.extract %reduce_sum3A_134[15] : i32 from vector<16xi32>
      %shift_right_arithmetic3A_136 = arith.constant 4 : i32
      %shift_right_arithmetic3A_137 = arith.shrsi %reduce_sum3A_135, %shift_right_arithmetic3A_136 : i32
      %and3A_138 = arith.constant 15 : i32
      %and3A_139 = arith.andi %reduce_sum3A_135, %and3A_138 : i32
      %dma_start3A_140 = arith.constant 3 : i32
      %dma_start3A_141 = arith.constant 0 : i32
      %dma_start3A_142 = tpu.memref_slice %arg6[%scan3A_49, %dma_start3A_140, %dma_start3A_141] : memref<32x16x64xf32, #tpu.memory_space<vmem>> -> memref<1x1x64xf32, #tpu.memory_space<vmem>>
      %dma_start3A_143 = tpu.memref_squeeze %dma_start3A_142 : memref<1x1x64xf32, #tpu.memory_space<vmem>> -> memref<64xf32, #tpu.memory_space<vmem>>
      %dma_start3A_144 = arith.constant 0 : i32
      %dma_start3A_145 = tpu.memref_slice %arg3[%shift_right_arithmetic3A_137, %and3A_139, %dma_start3A_144] : memref<62500x16x64xf32, #tpu.memory_space<hbm>> -> memref<1x1x64xf32, #tpu.memory_space<hbm>>
      %dma_start3A_146 = tpu.memref_squeeze %dma_start3A_145 : memref<1x1x64xf32, #tpu.memory_space<hbm>> -> memref<64xf32, #tpu.memory_space<hbm>>
      %dma_start3A_147 = arith.constant 0 : i32
      %dma_start3A_148 = tpu.memref_slice %arg6[%scan3A_49, %dma_start3A_140, %dma_start3A_147] : memref<32x16x64xf32, #tpu.memory_space<vmem>> -> memref<1x1x64xf32, #tpu.memory_space<vmem>>
      %dma_start3A_149 = tpu.memref_squeeze %dma_start3A_148 : memref<1x1x64xf32, #tpu.memory_space<vmem>> -> memref<64xf32, #tpu.memory_space<vmem>>
      %dma_start3A_150 = arith.constant 0 : i32
      %dma_start3A_151 = tpu.memref_slice %arg3[%shift_right_arithmetic3A_137, %and3A_139, %dma_start3A_150] : memref<62500x16x64xf32, #tpu.memory_space<hbm>> -> memref<1x1x64xf32, #tpu.memory_space<hbm>>
      %dma_start3A_152 = tpu.memref_squeeze %dma_start3A_151 : memref<1x1x64xf32, #tpu.memory_space<hbm>> -> memref<64xf32, #tpu.memory_space<hbm>>
      tpu.enqueue_dma source(%dma_start3A_152 : memref<64xf32, #tpu.memory_space<hbm>>) target(%dma_start3A_149 : memref<64xf32, #tpu.memory_space<vmem>>) target_semaphore(%arg7 : memref<!tpu.dma_semaphore, #tpu.memory_space<semaphore_mem>>)
      %eq3A_153 = arith.constant 4 : i32
      %eq3A_154 = vector.broadcast %eq3A_153 : i32 to vector<16xi32>
      %eq3A_155 = arith.cmpi eq, %iota3A, %eq3A_154 : vector<16xi32>
      %jit3A_156 = arith.constant 0 : i32
      %broadcast_in_dim3A_157 = vector.broadcast %jit3A_156 : i32 to vector<16xi32>
      %select_n3A_158 = arith.select %eq3A_155, %get3A_52, %broadcast_in_dim3A_157 : vector<16xi1>, vector<16xi32>
      %reduce_sum3A_159 = arith.constant true
      %reduce_sum3A_160 = vector.broadcast %reduce_sum3A_159 : i1 to vector<16xi1>
      %reduce_sum3A_161 = tpu.scan <sum>, %select_n3A_158 masked %reduce_sum3A_160 : vector<16xi32>, vector<16xi1> -> vector<16xi32>
      %reduce_sum3A_162 = vector.extract %reduce_sum3A_161[15] : i32 from vector<16xi32>
      %shift_right_arithmetic3A_163 = arith.constant 4 : i32
      %shift_right_arithmetic3A_164 = arith.shrsi %reduce_sum3A_162, %shift_right_arithmetic3A_163 : i32
      %and3A_165 = arith.constant 15 : i32
      %and3A_166 = arith.andi %reduce_sum3A_162, %and3A_165 : i32
      %dma_start3A_167 = arith.constant 4 : i32
      %dma_start3A_168 = arith.constant 0 : i32
      %dma_start3A_169 = tpu.memref_slice %arg6[%scan3A_49, %dma_start3A_167, %dma_start3A_168] : memref<32x16x64xf32, #tpu.memory_space<vmem>> -> memref<1x1x64xf32, #tpu.memory_space<vmem>>
      %dma_start3A_170 = tpu.memref_squeeze %dma_start3A_169 : memref<1x1x64xf32, #tpu.memory_space<vmem>> -> memref<64xf32, #tpu.memory_space<vmem>>
      %dma_start3A_171 = arith.constant 0 : i32
      %dma_start3A_172 = tpu.memref_slice %arg3[%shift_right_arithmetic3A_164, %and3A_166, %dma_start3A_171] : memref<62500x16x64xf32, #tpu.memory_space<hbm>> -> memref<1x1x64xf32, #tpu.memory_space<hbm>>
      %dma_start3A_173 = tpu.memref_squeeze %dma_start3A_172 : memref<1x1x64xf32, #tpu.memory_space<hbm>> -> memref<64xf32, #tpu.memory_space<hbm>>
      %dma_start3A_174 = arith.constant 0 : i32
      %dma_start3A_175 = tpu.memref_slice %arg6[%scan3A_49, %dma_start3A_167, %dma_start3A_174] : memref<32x16x64xf32, #tpu.memory_space<vmem>> -> memref<1x1x64xf32, #tpu.memory_space<vmem>>
      %dma_start3A_176 = tpu.memref_squeeze %dma_start3A_175 : memref<1x1x64xf32, #tpu.memory_space<vmem>> -> memref<64xf32, #tpu.memory_space<vmem>>
      %dma_start3A_177 = arith.constant 0 : i32
      %dma_start3A_178 = tpu.memref_slice %arg3[%shift_right_arithmetic3A_164, %and3A_166, %dma_start3A_177] : memref<62500x16x64xf32, #tpu.memory_space<hbm>> -> memref<1x1x64xf32, #tpu.memory_space<hbm>>
      %dma_start3A_179 = tpu.memref_squeeze %dma_start3A_178 : memref<1x1x64xf32, #tpu.memory_space<hbm>> -> memref<64xf32, #tpu.memory_space<hbm>>
      tpu.enqueue_dma source(%dma_start3A_179 : memref<64xf32, #tpu.memory_space<hbm>>) target(%dma_start3A_176 : memref<64xf32, #tpu.memory_space<vmem>>) target_semaphore(%arg7 : memref<!tpu.dma_semaphore, #tpu.memory_space<semaphore_mem>>)
      %eq3A_180 = arith.constant 5 : i32
      %eq3A_181 = vector.broadcast %eq3A_180 : i32 to vector<16xi32>
      %eq3A_182 = arith.cmpi eq, %iota3A, %eq3A_181 : vector<16xi32>
      %jit3A_183 = arith.constant 0 : i32
      %broadcast_in_dim3A_184 = vector.broadcast %jit3A_183 : i32 to vector<16xi32>
      %select_n3A_185 = arith.select %eq3A_182, %get3A_52, %broadcast_in_dim3A_184 : vector<16xi1>, vector<16xi32>
      %reduce_sum3A_186 = arith.constant true
      %reduce_sum3A_187 = vector.broadcast %reduce_sum3A_186 : i1 to vector<16xi1>
      %reduce_sum3A_188 = tpu.scan <sum>, %select_n3A_185 masked %reduce_sum3A_187 : vector<16xi32>, vector<16xi1> -> vector<16xi32>
      %reduce_sum3A_189 = vector.extract %reduce_sum3A_188[15] : i32 from vector<16xi32>
      %shift_right_arithmetic3A_190 = arith.constant 4 : i32
      %shift_right_arithmetic3A_191 = arith.shrsi %reduce_sum3A_189, %shift_right_arithmetic3A_190 : i32
      %and3A_192 = arith.constant 15 : i32
      %and3A_193 = arith.andi %reduce_sum3A_189, %and3A_192 : i32
      %dma_start3A_194 = arith.constant 5 : i32
      %dma_start3A_195 = arith.constant 0 : i32
      %dma_start3A_196 = tpu.memref_slice %arg6[%scan3A_49, %dma_start3A_194, %dma_start3A_195] : memref<32x16x64xf32, #tpu.memory_space<vmem>> -> memref<1x1x64xf32, #tpu.memory_space<vmem>>
      %dma_start3A_197 = tpu.memref_squeeze %dma_start3A_196 : memref<1x1x64xf32, #tpu.memory_space<vmem>> -> memref<64xf32, #tpu.memory_space<vmem>>
      %dma_start3A_198 = arith.constant 0 : i32
      %dma_start3A_199 = tpu.memref_slice %arg3[%shift_right_arithmetic3A_191, %and3A_193, %dma_start3A_198] : memref<62500x16x64xf32, #tpu.memory_space<hbm>> -> memref<1x1x64xf32, #tpu.memory_space<hbm>>
      %dma_start3A_200 = tpu.memref_squeeze %dma_start3A_199 : memref<1x1x64xf32, #tpu.memory_space<hbm>> -> memref<64xf32, #tpu.memory_space<hbm>>
      %dma_start3A_201 = arith.constant 0 : i32
      %dma_start3A_202 = tpu.memref_slice %arg6[%scan3A_49, %dma_start3A_194, %dma_start3A_201] : memref<32x16x64xf32, #tpu.memory_space<vmem>> -> memref<1x1x64xf32, #tpu.memory_space<vmem>>
      %dma_start3A_203 = tpu.memref_squeeze %dma_start3A_202 : memref<1x1x64xf32, #tpu.memory_space<vmem>> -> memref<64xf32, #tpu.memory_space<vmem>>
      %dma_start3A_204 = arith.constant 0 : i32
      %dma_start3A_205 = tpu.memref_slice %arg3[%shift_right_arithmetic3A_191, %and3A_193, %dma_start3A_204] : memref<62500x16x64xf32, #tpu.memory_space<hbm>> -> memref<1x1x64xf32, #tpu.memory_space<hbm>>
      %dma_start3A_206 = tpu.memref_squeeze %dma_start3A_205 : memref<1x1x64xf32, #tpu.memory_space<hbm>> -> memref<64xf32, #tpu.memory_space<hbm>>
      tpu.enqueue_dma source(%dma_start3A_206 : memref<64xf32, #tpu.memory_space<hbm>>) target(%dma_start3A_203 : memref<64xf32, #tpu.memory_space<vmem>>) target_semaphore(%arg7 : memref<!tpu.dma_semaphore, #tpu.memory_space<semaphore_mem>>)
      %eq3A_207 = arith.constant 6 : i32
      %eq3A_208 = vector.broadcast %eq3A_207 : i32 to vector<16xi32>
      %eq3A_209 = arith.cmpi eq, %iota3A, %eq3A_208 : vector<16xi32>
      %jit3A_210 = arith.constant 0 : i32
      %broadcast_in_dim3A_211 = vector.broadcast %jit3A_210 : i32 to vector<16xi32>
      %select_n3A_212 = arith.select %eq3A_209, %get3A_52, %broadcast_in_dim3A_211 : vector<16xi1>, vector<16xi32>
      %reduce_sum3A_213 = arith.constant true
      %reduce_sum3A_214 = vector.broadcast %reduce_sum3A_213 : i1 to vector<16xi1>
      %reduce_sum3A_215 = tpu.scan <sum>, %select_n3A_212 masked %reduce_sum3A_214 : vector<16xi32>, vector<16xi1> -> vector<16xi32>
      %reduce_sum3A_216 = vector.extract %reduce_sum3A_215[15] : i32 from vector<16xi32>
      %shift_right_arithmetic3A_217 = arith.constant 4 : i32
      %shift_right_arithmetic3A_218 = arith.shrsi %reduce_sum3A_216, %shift_right_arithmetic3A_217 : i32
      %and3A_219 = arith.constant 15 : i32
      %and3A_220 = arith.andi %reduce_sum3A_216, %and3A_219 : i32
      %dma_start3A_221 = arith.constant 6 : i32
      %dma_start3A_222 = arith.constant 0 : i32
      %dma_start3A_223 = tpu.memref_slice %arg6[%scan3A_49, %dma_start3A_221, %dma_start3A_222] : memref<32x16x64xf32, #tpu.memory_space<vmem>> -> memref<1x1x64xf32, #tpu.memory_space<vmem>>
      %dma_start3A_224 = tpu.memref_squeeze %dma_start3A_223 : memref<1x1x64xf32, #tpu.memory_space<vmem>> -> memref<64xf32, #tpu.memory_space<vmem>>
      %dma_start3A_225 = arith.constant 0 : i32
      %dma_start3A_226 = tpu.memref_slice %arg3[%shift_right_arithmetic3A_218, %and3A_220, %dma_start3A_225] : memref<62500x16x64xf32, #tpu.memory_space<hbm>> -> memref<1x1x64xf32, #tpu.memory_space<hbm>>
      %dma_start3A_227 = tpu.memref_squeeze %dma_start3A_226 : memref<1x1x64xf32, #tpu.memory_space<hbm>> -> memref<64xf32, #tpu.memory_space<hbm>>
      %dma_start3A_228 = arith.constant 0 : i32
      %dma_start3A_229 = tpu.memref_slice %arg6[%scan3A_49, %dma_start3A_221, %dma_start3A_228] : memref<32x16x64xf32, #tpu.memory_space<vmem>> -> memref<1x1x64xf32, #tpu.memory_space<vmem>>
      %dma_start3A_230 = tpu.memref_squeeze %dma_start3A_229 : memref<1x1x64xf32, #tpu.memory_space<vmem>> -> memref<64xf32, #tpu.memory_space<vmem>>
      %dma_start3A_231 = arith.constant 0 : i32
      %dma_start3A_232 = tpu.memref_slice %arg3[%shift_right_arithmetic3A_218, %and3A_220, %dma_start3A_231] : memref<62500x16x64xf32, #tpu.memory_space<hbm>> -> memref<1x1x64xf32, #tpu.memory_space<hbm>>
      %dma_start3A_233 = tpu.memref_squeeze %dma_start3A_232 : memref<1x1x64xf32, #tpu.memory_space<hbm>> -> memref<64xf32, #tpu.memory_space<hbm>>
      tpu.enqueue_dma source(%dma_start3A_233 : memref<64xf32, #tpu.memory_space<hbm>>) target(%dma_start3A_230 : memref<64xf32, #tpu.memory_space<vmem>>) target_semaphore(%arg7 : memref<!tpu.dma_semaphore, #tpu.memory_space<semaphore_mem>>)
      %eq3A_234 = arith.constant 7 : i32
      %eq3A_235 = vector.broadcast %eq3A_234 : i32 to vector<16xi32>
      %eq3A_236 = arith.cmpi eq, %iota3A, %eq3A_235 : vector<16xi32>
      %jit3A_237 = arith.constant 0 : i32
      %broadcast_in_dim3A_238 = vector.broadcast %jit3A_237 : i32 to vector<16xi32>
      %select_n3A_239 = arith.select %eq3A_236, %get3A_52, %broadcast_in_dim3A_238 : vector<16xi1>, vector<16xi32>
      %reduce_sum3A_240 = arith.constant true
      %reduce_sum3A_241 = vector.broadcast %reduce_sum3A_240 : i1 to vector<16xi1>
      %reduce_sum3A_242 = tpu.scan <sum>, %select_n3A_239 masked %reduce_sum3A_241 : vector<16xi32>, vector<16xi1> -> vector<16xi32>
      %reduce_sum3A_243 = vector.extract %reduce_sum3A_242[15] : i32 from vector<16xi32>
      %shift_right_arithmetic3A_244 = arith.constant 4 : i32
      %shift_right_arithmetic3A_245 = arith.shrsi %reduce_sum3A_243, %shift_right_arithmetic3A_244 : i32
      %and3A_246 = arith.constant 15 : i32
      %and3A_247 = arith.andi %reduce_sum3A_243, %and3A_246 : i32
      %dma_start3A_248 = arith.constant 7 : i32
      %dma_start3A_249 = arith.constant 0 : i32
      %dma_start3A_250 = tpu.memref_slice %arg6[%scan3A_49, %dma_start3A_248, %dma_start3A_249] : memref<32x16x64xf32, #tpu.memory_space<vmem>> -> memref<1x1x64xf32, #tpu.memory_space<vmem>>
      %dma_start3A_251 = tpu.memref_squeeze %dma_start3A_250 : memref<1x1x64xf32, #tpu.memory_space<vmem>> -> memref<64xf32, #tpu.memory_space<vmem>>
      %dma_start3A_252 = arith.constant 0 : i32
      %dma_start3A_253 = tpu.memref_slice %arg3[%shift_right_arithmetic3A_245, %and3A_247, %dma_start3A_252] : memref<62500x16x64xf32, #tpu.memory_space<hbm>> -> memref<1x1x64xf32, #tpu.memory_space<hbm>>
      %dma_start3A_254 = tpu.memref_squeeze %dma_start3A_253 : memref<1x1x64xf32, #tpu.memory_space<hbm>> -> memref<64xf32, #tpu.memory_space<hbm>>
      %dma_start3A_255 = arith.constant 0 : i32
      %dma_start3A_256 = tpu.memref_slice %arg6[%scan3A_49, %dma_start3A_248, %dma_start3A_255] : memref<32x16x64xf32, #tpu.memory_space<vmem>> -> memref<1x1x64xf32, #tpu.memory_space<vmem>>
      %dma_start3A_257 = tpu.memref_squeeze %dma_start3A_256 : memref<1x1x64xf32, #tpu.memory_space<vmem>> -> memref<64xf32, #tpu.memory_space<vmem>>
      %dma_start3A_258 = arith.constant 0 : i32
      %dma_start3A_259 = tpu.memref_slice %arg3[%shift_right_arithmetic3A_245, %and3A_247, %dma_start3A_258] : memref<62500x16x64xf32, #tpu.memory_space<hbm>> -> memref<1x1x64xf32, #tpu.memory_space<hbm>>
      %dma_start3A_260 = tpu.memref_squeeze %dma_start3A_259 : memref<1x1x64xf32, #tpu.memory_space<hbm>> -> memref<64xf32, #tpu.memory_space<hbm>>
      tpu.enqueue_dma source(%dma_start3A_260 : memref<64xf32, #tpu.memory_space<hbm>>) target(%dma_start3A_257 : memref<64xf32, #tpu.memory_space<vmem>>) target_semaphore(%arg7 : memref<!tpu.dma_semaphore, #tpu.memory_space<semaphore_mem>>)
      %eq3A_261 = arith.constant 8 : i32
      %eq3A_262 = vector.broadcast %eq3A_261 : i32 to vector<16xi32>
      %eq3A_263 = arith.cmpi eq, %iota3A, %eq3A_262 : vector<16xi32>
      %jit3A_264 = arith.constant 0 : i32
      %broadcast_in_dim3A_265 = vector.broadcast %jit3A_264 : i32 to vector<16xi32>
      %select_n3A_266 = arith.select %eq3A_263, %get3A_52, %broadcast_in_dim3A_265 : vector<16xi1>, vector<16xi32>
      %reduce_sum3A_267 = arith.constant true
      %reduce_sum3A_268 = vector.broadcast %reduce_sum3A_267 : i1 to vector<16xi1>
      %reduce_sum3A_269 = tpu.scan <sum>, %select_n3A_266 masked %reduce_sum3A_268 : vector<16xi32>, vector<16xi1> -> vector<16xi32>
      %reduce_sum3A_270 = vector.extract %reduce_sum3A_269[15] : i32 from vector<16xi32>
      %shift_right_arithmetic3A_271 = arith.constant 4 : i32
      %shift_right_arithmetic3A_272 = arith.shrsi %reduce_sum3A_270, %shift_right_arithmetic3A_271 : i32
      %and3A_273 = arith.constant 15 : i32
      %and3A_274 = arith.andi %reduce_sum3A_270, %and3A_273 : i32
      %dma_start3A_275 = arith.constant 8 : i32
      %dma_start3A_276 = arith.constant 0 : i32
      %dma_start3A_277 = tpu.memref_slice %arg6[%scan3A_49, %dma_start3A_275, %dma_start3A_276] : memref<32x16x64xf32, #tpu.memory_space<vmem>> -> memref<1x1x64xf32, #tpu.memory_space<vmem>>
      %dma_start3A_278 = tpu.memref_squeeze %dma_start3A_277 : memref<1x1x64xf32, #tpu.memory_space<vmem>> -> memref<64xf32, #tpu.memory_space<vmem>>
      %dma_start3A_279 = arith.constant 0 : i32
      %dma_start3A_280 = tpu.memref_slice %arg3[%shift_right_arithmetic3A_272, %and3A_274, %dma_start3A_279] : memref<62500x16x64xf32, #tpu.memory_space<hbm>> -> memref<1x1x64xf32, #tpu.memory_space<hbm>>
      %dma_start3A_281 = tpu.memref_squeeze %dma_start3A_280 : memref<1x1x64xf32, #tpu.memory_space<hbm>> -> memref<64xf32, #tpu.memory_space<hbm>>
      %dma_start3A_282 = arith.constant 0 : i32
      %dma_start3A_283 = tpu.memref_slice %arg6[%scan3A_49, %dma_start3A_275, %dma_start3A_282] : memref<32x16x64xf32, #tpu.memory_space<vmem>> -> memref<1x1x64xf32, #tpu.memory_space<vmem>>
      %dma_start3A_284 = tpu.memref_squeeze %dma_start3A_283 : memref<1x1x64xf32, #tpu.memory_space<vmem>> -> memref<64xf32, #tpu.memory_space<vmem>>
      %dma_start3A_285 = arith.constant 0 : i32
      %dma_start3A_286 = tpu.memref_slice %arg3[%shift_right_arithmetic3A_272, %and3A_274, %dma_start3A_285] : memref<62500x16x64xf32, #tpu.memory_space<hbm>> -> memref<1x1x64xf32, #tpu.memory_space<hbm>>
      %dma_start3A_287 = tpu.memref_squeeze %dma_start3A_286 : memref<1x1x64xf32, #tpu.memory_space<hbm>> -> memref<64xf32, #tpu.memory_space<hbm>>
      tpu.enqueue_dma source(%dma_start3A_287 : memref<64xf32, #tpu.memory_space<hbm>>) target(%dma_start3A_284 : memref<64xf32, #tpu.memory_space<vmem>>) target_semaphore(%arg7 : memref<!tpu.dma_semaphore, #tpu.memory_space<semaphore_mem>>)
      %eq3A_288 = arith.constant 9 : i32
      %eq3A_289 = vector.broadcast %eq3A_288 : i32 to vector<16xi32>
      %eq3A_290 = arith.cmpi eq, %iota3A, %eq3A_289 : vector<16xi32>
      %jit3A_291 = arith.constant 0 : i32
      %broadcast_in_dim3A_292 = vector.broadcast %jit3A_291 : i32 to vector<16xi32>
      %select_n3A_293 = arith.select %eq3A_290, %get3A_52, %broadcast_in_dim3A_292 : vector<16xi1>, vector<16xi32>
      %reduce_sum3A_294 = arith.constant true
      %reduce_sum3A_295 = vector.broadcast %reduce_sum3A_294 : i1 to vector<16xi1>
      %reduce_sum3A_296 = tpu.scan <sum>, %select_n3A_293 masked %reduce_sum3A_295 : vector<16xi32>, vector<16xi1> -> vector<16xi32>
      %reduce_sum3A_297 = vector.extract %reduce_sum3A_296[15] : i32 from vector<16xi32>
      %shift_right_arithmetic3A_298 = arith.constant 4 : i32
      %shift_right_arithmetic3A_299 = arith.shrsi %reduce_sum3A_297, %shift_right_arithmetic3A_298 : i32
      %and3A_300 = arith.constant 15 : i32
      %and3A_301 = arith.andi %reduce_sum3A_297, %and3A_300 : i32
      %dma_start3A_302 = arith.constant 9 : i32
      %dma_start3A_303 = arith.constant 0 : i32
      %dma_start3A_304 = tpu.memref_slice %arg6[%scan3A_49, %dma_start3A_302, %dma_start3A_303] : memref<32x16x64xf32, #tpu.memory_space<vmem>> -> memref<1x1x64xf32, #tpu.memory_space<vmem>>
      %dma_start3A_305 = tpu.memref_squeeze %dma_start3A_304 : memref<1x1x64xf32, #tpu.memory_space<vmem>> -> memref<64xf32, #tpu.memory_space<vmem>>
      %dma_start3A_306 = arith.constant 0 : i32
      %dma_start3A_307 = tpu.memref_slice %arg3[%shift_right_arithmetic3A_299, %and3A_301, %dma_start3A_306] : memref<62500x16x64xf32, #tpu.memory_space<hbm>> -> memref<1x1x64xf32, #tpu.memory_space<hbm>>
      %dma_start3A_308 = tpu.memref_squeeze %dma_start3A_307 : memref<1x1x64xf32, #tpu.memory_space<hbm>> -> memref<64xf32, #tpu.memory_space<hbm>>
      %dma_start3A_309 = arith.constant 0 : i32
      %dma_start3A_310 = tpu.memref_slice %arg6[%scan3A_49, %dma_start3A_302, %dma_start3A_309] : memref<32x16x64xf32, #tpu.memory_space<vmem>> -> memref<1x1x64xf32, #tpu.memory_space<vmem>>
      %dma_start3A_311 = tpu.memref_squeeze %dma_start3A_310 : memref<1x1x64xf32, #tpu.memory_space<vmem>> -> memref<64xf32, #tpu.memory_space<vmem>>
      %dma_start3A_312 = arith.constant 0 : i32
      %dma_start3A_313 = tpu.memref_slice %arg3[%shift_right_arithmetic3A_299, %and3A_301, %dma_start3A_312] : memref<62500x16x64xf32, #tpu.memory_space<hbm>> -> memref<1x1x64xf32, #tpu.memory_space<hbm>>
      %dma_start3A_314 = tpu.memref_squeeze %dma_start3A_313 : memref<1x1x64xf32, #tpu.memory_space<hbm>> -> memref<64xf32, #tpu.memory_space<hbm>>
      tpu.enqueue_dma source(%dma_start3A_314 : memref<64xf32, #tpu.memory_space<hbm>>) target(%dma_start3A_311 : memref<64xf32, #tpu.memory_space<vmem>>) target_semaphore(%arg7 : memref<!tpu.dma_semaphore, #tpu.memory_space<semaphore_mem>>)
      %eq3A_315 = arith.constant 10 : i32
      %eq3A_316 = vector.broadcast %eq3A_315 : i32 to vector<16xi32>
      %eq3A_317 = arith.cmpi eq, %iota3A, %eq3A_316 : vector<16xi32>
      %jit3A_318 = arith.constant 0 : i32
      %broadcast_in_dim3A_319 = vector.broadcast %jit3A_318 : i32 to vector<16xi32>
      %select_n3A_320 = arith.select %eq3A_317, %get3A_52, %broadcast_in_dim3A_319 : vector<16xi1>, vector<16xi32>
      %reduce_sum3A_321 = arith.constant true
      %reduce_sum3A_322 = vector.broadcast %reduce_sum3A_321 : i1 to vector<16xi1>
      %reduce_sum3A_323 = tpu.scan <sum>, %select_n3A_320 masked %reduce_sum3A_322 : vector<16xi32>, vector<16xi1> -> vector<16xi32>
      %reduce_sum3A_324 = vector.extract %reduce_sum3A_323[15] : i32 from vector<16xi32>
      %shift_right_arithmetic3A_325 = arith.constant 4 : i32
      %shift_right_arithmetic3A_326 = arith.shrsi %reduce_sum3A_324, %shift_right_arithmetic3A_325 : i32
      %and3A_327 = arith.constant 15 : i32
      %and3A_328 = arith.andi %reduce_sum3A_324, %and3A_327 : i32
      %dma_start3A_329 = arith.constant 10 : i32
      %dma_start3A_330 = arith.constant 0 : i32
      %dma_start3A_331 = tpu.memref_slice %arg6[%scan3A_49, %dma_start3A_329, %dma_start3A_330] : memref<32x16x64xf32, #tpu.memory_space<vmem>> -> memref<1x1x64xf32, #tpu.memory_space<vmem>>
      %dma_start3A_332 = tpu.memref_squeeze %dma_start3A_331 : memref<1x1x64xf32, #tpu.memory_space<vmem>> -> memref<64xf32, #tpu.memory_space<vmem>>
      %dma_start3A_333 = arith.constant 0 : i32
      %dma_start3A_334 = tpu.memref_slice %arg3[%shift_right_arithmetic3A_326, %and3A_328, %dma_start3A_333] : memref<62500x16x64xf32, #tpu.memory_space<hbm>> -> memref<1x1x64xf32, #tpu.memory_space<hbm>>
      %dma_start3A_335 = tpu.memref_squeeze %dma_start3A_334 : memref<1x1x64xf32, #tpu.memory_space<hbm>> -> memref<64xf32, #tpu.memory_space<hbm>>
      %dma_start3A_336 = arith.constant 0 : i32
      %dma_start3A_337 = tpu.memref_slice %arg6[%scan3A_49, %dma_start3A_329, %dma_start3A_336] : memref<32x16x64xf32, #tpu.memory_space<vmem>> -> memref<1x1x64xf32, #tpu.memory_space<vmem>>
      %dma_start3A_338 = tpu.memref_squeeze %dma_start3A_337 : memref<1x1x64xf32, #tpu.memory_space<vmem>> -> memref<64xf32, #tpu.memory_space<vmem>>
      %dma_start3A_339 = arith.constant 0 : i32
      %dma_start3A_340 = tpu.memref_slice %arg3[%shift_right_arithmetic3A_326, %and3A_328, %dma_start3A_339] : memref<62500x16x64xf32, #tpu.memory_space<hbm>> -> memref<1x1x64xf32, #tpu.memory_space<hbm>>
      %dma_start3A_341 = tpu.memref_squeeze %dma_start3A_340 : memref<1x1x64xf32, #tpu.memory_space<hbm>> -> memref<64xf32, #tpu.memory_space<hbm>>
      tpu.enqueue_dma source(%dma_start3A_341 : memref<64xf32, #tpu.memory_space<hbm>>) target(%dma_start3A_338 : memref<64xf32, #tpu.memory_space<vmem>>) target_semaphore(%arg7 : memref<!tpu.dma_semaphore, #tpu.memory_space<semaphore_mem>>)
      %eq3A_342 = arith.constant 11 : i32
      %eq3A_343 = vector.broadcast %eq3A_342 : i32 to vector<16xi32>
      %eq3A_344 = arith.cmpi eq, %iota3A, %eq3A_343 : vector<16xi32>
      %jit3A_345 = arith.constant 0 : i32
      %broadcast_in_dim3A_346 = vector.broadcast %jit3A_345 : i32 to vector<16xi32>
      %select_n3A_347 = arith.select %eq3A_344, %get3A_52, %broadcast_in_dim3A_346 : vector<16xi1>, vector<16xi32>
      %reduce_sum3A_348 = arith.constant true
      %reduce_sum3A_349 = vector.broadcast %reduce_sum3A_348 : i1 to vector<16xi1>
      %reduce_sum3A_350 = tpu.scan <sum>, %select_n3A_347 masked %reduce_sum3A_349 : vector<16xi32>, vector<16xi1> -> vector<16xi32>
      %reduce_sum3A_351 = vector.extract %reduce_sum3A_350[15] : i32 from vector<16xi32>
      %shift_right_arithmetic3A_352 = arith.constant 4 : i32
      %shift_right_arithmetic3A_353 = arith.shrsi %reduce_sum3A_351, %shift_right_arithmetic3A_352 : i32
      %and3A_354 = arith.constant 15 : i32
      %and3A_355 = arith.andi %reduce_sum3A_351, %and3A_354 : i32
      %dma_start3A_356 = arith.constant 11 : i32
      %dma_start3A_357 = arith.constant 0 : i32
      %dma_start3A_358 = tpu.memref_slice %arg6[%scan3A_49, %dma_start3A_356, %dma_start3A_357] : memref<32x16x64xf32, #tpu.memory_space<vmem>> -> memref<1x1x64xf32, #tpu.memory_space<vmem>>
      %dma_start3A_359 = tpu.memref_squeeze %dma_start3A_358 : memref<1x1x64xf32, #tpu.memory_space<vmem>> -> memref<64xf32, #tpu.memory_space<vmem>>
      %dma_start3A_360 = arith.constant 0 : i32
      %dma_start3A_361 = tpu.memref_slice %arg3[%shift_right_arithmetic3A_353, %and3A_355, %dma_start3A_360] : memref<62500x16x64xf32, #tpu.memory_space<hbm>> -> memref<1x1x64xf32, #tpu.memory_space<hbm>>
      %dma_start3A_362 = tpu.memref_squeeze %dma_start3A_361 : memref<1x1x64xf32, #tpu.memory_space<hbm>> -> memref<64xf32, #tpu.memory_space<hbm>>
      %dma_start3A_363 = arith.constant 0 : i32
      %dma_start3A_364 = tpu.memref_slice %arg6[%scan3A_49, %dma_start3A_356, %dma_start3A_363] : memref<32x16x64xf32, #tpu.memory_space<vmem>> -> memref<1x1x64xf32, #tpu.memory_space<vmem>>
      %dma_start3A_365 = tpu.memref_squeeze %dma_start3A_364 : memref<1x1x64xf32, #tpu.memory_space<vmem>> -> memref<64xf32, #tpu.memory_space<vmem>>
      %dma_start3A_366 = arith.constant 0 : i32
      %dma_start3A_367 = tpu.memref_slice %arg3[%shift_right_arithmetic3A_353, %and3A_355, %dma_start3A_366] : memref<62500x16x64xf32, #tpu.memory_space<hbm>> -> memref<1x1x64xf32, #tpu.memory_space<hbm>>
      %dma_start3A_368 = tpu.memref_squeeze %dma_start3A_367 : memref<1x1x64xf32, #tpu.memory_space<hbm>> -> memref<64xf32, #tpu.memory_space<hbm>>
      tpu.enqueue_dma source(%dma_start3A_368 : memref<64xf32, #tpu.memory_space<hbm>>) target(%dma_start3A_365 : memref<64xf32, #tpu.memory_space<vmem>>) target_semaphore(%arg7 : memref<!tpu.dma_semaphore, #tpu.memory_space<semaphore_mem>>)
      %eq3A_369 = arith.constant 12 : i32
      %eq3A_370 = vector.broadcast %eq3A_369 : i32 to vector<16xi32>
      %eq3A_371 = arith.cmpi eq, %iota3A, %eq3A_370 : vector<16xi32>
      %jit3A_372 = arith.constant 0 : i32
      %broadcast_in_dim3A_373 = vector.broadcast %jit3A_372 : i32 to vector<16xi32>
      %select_n3A_374 = arith.select %eq3A_371, %get3A_52, %broadcast_in_dim3A_373 : vector<16xi1>, vector<16xi32>
      %reduce_sum3A_375 = arith.constant true
      %reduce_sum3A_376 = vector.broadcast %reduce_sum3A_375 : i1 to vector<16xi1>
      %reduce_sum3A_377 = tpu.scan <sum>, %select_n3A_374 masked %reduce_sum3A_376 : vector<16xi32>, vector<16xi1> -> vector<16xi32>
      %reduce_sum3A_378 = vector.extract %reduce_sum3A_377[15] : i32 from vector<16xi32>
      %shift_right_arithmetic3A_379 = arith.constant 4 : i32
      %shift_right_arithmetic3A_380 = arith.shrsi %reduce_sum3A_378, %shift_right_arithmetic3A_379 : i32
      %and3A_381 = arith.constant 15 : i32
      %and3A_382 = arith.andi %reduce_sum3A_378, %and3A_381 : i32
      %dma_start3A_383 = arith.constant 12 : i32
      %dma_start3A_384 = arith.constant 0 : i32
      %dma_start3A_385 = tpu.memref_slice %arg6[%scan3A_49, %dma_start3A_383, %dma_start3A_384] : memref<32x16x64xf32, #tpu.memory_space<vmem>> -> memref<1x1x64xf32, #tpu.memory_space<vmem>>
      %dma_start3A_386 = tpu.memref_squeeze %dma_start3A_385 : memref<1x1x64xf32, #tpu.memory_space<vmem>> -> memref<64xf32, #tpu.memory_space<vmem>>
      %dma_start3A_387 = arith.constant 0 : i32
      %dma_start3A_388 = tpu.memref_slice %arg3[%shift_right_arithmetic3A_380, %and3A_382, %dma_start3A_387] : memref<62500x16x64xf32, #tpu.memory_space<hbm>> -> memref<1x1x64xf32, #tpu.memory_space<hbm>>
      %dma_start3A_389 = tpu.memref_squeeze %dma_start3A_388 : memref<1x1x64xf32, #tpu.memory_space<hbm>> -> memref<64xf32, #tpu.memory_space<hbm>>
      %dma_start3A_390 = arith.constant 0 : i32
      %dma_start3A_391 = tpu.memref_slice %arg6[%scan3A_49, %dma_start3A_383, %dma_start3A_390] : memref<32x16x64xf32, #tpu.memory_space<vmem>> -> memref<1x1x64xf32, #tpu.memory_space<vmem>>
      %dma_start3A_392 = tpu.memref_squeeze %dma_start3A_391 : memref<1x1x64xf32, #tpu.memory_space<vmem>> -> memref<64xf32, #tpu.memory_space<vmem>>
      %dma_start3A_393 = arith.constant 0 : i32
      %dma_start3A_394 = tpu.memref_slice %arg3[%shift_right_arithmetic3A_380, %and3A_382, %dma_start3A_393] : memref<62500x16x64xf32, #tpu.memory_space<hbm>> -> memref<1x1x64xf32, #tpu.memory_space<hbm>>
      %dma_start3A_395 = tpu.memref_squeeze %dma_start3A_394 : memref<1x1x64xf32, #tpu.memory_space<hbm>> -> memref<64xf32, #tpu.memory_space<hbm>>
      tpu.enqueue_dma source(%dma_start3A_395 : memref<64xf32, #tpu.memory_space<hbm>>) target(%dma_start3A_392 : memref<64xf32, #tpu.memory_space<vmem>>) target_semaphore(%arg7 : memref<!tpu.dma_semaphore, #tpu.memory_space<semaphore_mem>>)
      %eq3A_396 = arith.constant 13 : i32
      %eq3A_397 = vector.broadcast %eq3A_396 : i32 to vector<16xi32>
      %eq3A_398 = arith.cmpi eq, %iota3A, %eq3A_397 : vector<16xi32>
      %jit3A_399 = arith.constant 0 : i32
      %broadcast_in_dim3A_400 = vector.broadcast %jit3A_399 : i32 to vector<16xi32>
      %select_n3A_401 = arith.select %eq3A_398, %get3A_52, %broadcast_in_dim3A_400 : vector<16xi1>, vector<16xi32>
      %reduce_sum3A_402 = arith.constant true
      %reduce_sum3A_403 = vector.broadcast %reduce_sum3A_402 : i1 to vector<16xi1>
      %reduce_sum3A_404 = tpu.scan <sum>, %select_n3A_401 masked %reduce_sum3A_403 : vector<16xi32>, vector<16xi1> -> vector<16xi32>
      %reduce_sum3A_405 = vector.extract %reduce_sum3A_404[15] : i32 from vector<16xi32>
      %shift_right_arithmetic3A_406 = arith.constant 4 : i32
      %shift_right_arithmetic3A_407 = arith.shrsi %reduce_sum3A_405, %shift_right_arithmetic3A_406 : i32
      %and3A_408 = arith.constant 15 : i32
      %and3A_409 = arith.andi %reduce_sum3A_405, %and3A_408 : i32
      %dma_start3A_410 = arith.constant 13 : i32
      %dma_start3A_411 = arith.constant 0 : i32
      %dma_start3A_412 = tpu.memref_slice %arg6[%scan3A_49, %dma_start3A_410, %dma_start3A_411] : memref<32x16x64xf32, #tpu.memory_space<vmem>> -> memref<1x1x64xf32, #tpu.memory_space<vmem>>
      %dma_start3A_413 = tpu.memref_squeeze %dma_start3A_412 : memref<1x1x64xf32, #tpu.memory_space<vmem>> -> memref<64xf32, #tpu.memory_space<vmem>>
      %dma_start3A_414 = arith.constant 0 : i32
      %dma_start3A_415 = tpu.memref_slice %arg3[%shift_right_arithmetic3A_407, %and3A_409, %dma_start3A_414] : memref<62500x16x64xf32, #tpu.memory_space<hbm>> -> memref<1x1x64xf32, #tpu.memory_space<hbm>>
      %dma_start3A_416 = tpu.memref_squeeze %dma_start3A_415 : memref<1x1x64xf32, #tpu.memory_space<hbm>> -> memref<64xf32, #tpu.memory_space<hbm>>
      %dma_start3A_417 = arith.constant 0 : i32
      %dma_start3A_418 = tpu.memref_slice %arg6[%scan3A_49, %dma_start3A_410, %dma_start3A_417] : memref<32x16x64xf32, #tpu.memory_space<vmem>> -> memref<1x1x64xf32, #tpu.memory_space<vmem>>
      %dma_start3A_419 = tpu.memref_squeeze %dma_start3A_418 : memref<1x1x64xf32, #tpu.memory_space<vmem>> -> memref<64xf32, #tpu.memory_space<vmem>>
      %dma_start3A_420 = arith.constant 0 : i32
      %dma_start3A_421 = tpu.memref_slice %arg3[%shift_right_arithmetic3A_407, %and3A_409, %dma_start3A_420] : memref<62500x16x64xf32, #tpu.memory_space<hbm>> -> memref<1x1x64xf32, #tpu.memory_space<hbm>>
      %dma_start3A_422 = tpu.memref_squeeze %dma_start3A_421 : memref<1x1x64xf32, #tpu.memory_space<hbm>> -> memref<64xf32, #tpu.memory_space<hbm>>
      tpu.enqueue_dma source(%dma_start3A_422 : memref<64xf32, #tpu.memory_space<hbm>>) target(%dma_start3A_419 : memref<64xf32, #tpu.memory_space<vmem>>) target_semaphore(%arg7 : memref<!tpu.dma_semaphore, #tpu.memory_space<semaphore_mem>>)
      %eq3A_423 = arith.constant 14 : i32
      %eq3A_424 = vector.broadcast %eq3A_423 : i32 to vector<16xi32>
      %eq3A_425 = arith.cmpi eq, %iota3A, %eq3A_424 : vector<16xi32>
      %jit3A_426 = arith.constant 0 : i32
      %broadcast_in_dim3A_427 = vector.broadcast %jit3A_426 : i32 to vector<16xi32>
      %select_n3A_428 = arith.select %eq3A_425, %get3A_52, %broadcast_in_dim3A_427 : vector<16xi1>, vector<16xi32>
      %reduce_sum3A_429 = arith.constant true
      %reduce_sum3A_430 = vector.broadcast %reduce_sum3A_429 : i1 to vector<16xi1>
      %reduce_sum3A_431 = tpu.scan <sum>, %select_n3A_428 masked %reduce_sum3A_430 : vector<16xi32>, vector<16xi1> -> vector<16xi32>
      %reduce_sum3A_432 = vector.extract %reduce_sum3A_431[15] : i32 from vector<16xi32>
      %shift_right_arithmetic3A_433 = arith.constant 4 : i32
      %shift_right_arithmetic3A_434 = arith.shrsi %reduce_sum3A_432, %shift_right_arithmetic3A_433 : i32
      %and3A_435 = arith.constant 15 : i32
      %and3A_436 = arith.andi %reduce_sum3A_432, %and3A_435 : i32
      %dma_start3A_437 = arith.constant 14 : i32
      %dma_start3A_438 = arith.constant 0 : i32
      %dma_start3A_439 = tpu.memref_slice %arg6[%scan3A_49, %dma_start3A_437, %dma_start3A_438] : memref<32x16x64xf32, #tpu.memory_space<vmem>> -> memref<1x1x64xf32, #tpu.memory_space<vmem>>
      %dma_start3A_440 = tpu.memref_squeeze %dma_start3A_439 : memref<1x1x64xf32, #tpu.memory_space<vmem>> -> memref<64xf32, #tpu.memory_space<vmem>>
      %dma_start3A_441 = arith.constant 0 : i32
      %dma_start3A_442 = tpu.memref_slice %arg3[%shift_right_arithmetic3A_434, %and3A_436, %dma_start3A_441] : memref<62500x16x64xf32, #tpu.memory_space<hbm>> -> memref<1x1x64xf32, #tpu.memory_space<hbm>>
      %dma_start3A_443 = tpu.memref_squeeze %dma_start3A_442 : memref<1x1x64xf32, #tpu.memory_space<hbm>> -> memref<64xf32, #tpu.memory_space<hbm>>
      %dma_start3A_444 = arith.constant 0 : i32
      %dma_start3A_445 = tpu.memref_slice %arg6[%scan3A_49, %dma_start3A_437, %dma_start3A_444] : memref<32x16x64xf32, #tpu.memory_space<vmem>> -> memref<1x1x64xf32, #tpu.memory_space<vmem>>
      %dma_start3A_446 = tpu.memref_squeeze %dma_start3A_445 : memref<1x1x64xf32, #tpu.memory_space<vmem>> -> memref<64xf32, #tpu.memory_space<vmem>>
      %dma_start3A_447 = arith.constant 0 : i32
      %dma_start3A_448 = tpu.memref_slice %arg3[%shift_right_arithmetic3A_434, %and3A_436, %dma_start3A_447] : memref<62500x16x64xf32, #tpu.memory_space<hbm>> -> memref<1x1x64xf32, #tpu.memory_space<hbm>>
      %dma_start3A_449 = tpu.memref_squeeze %dma_start3A_448 : memref<1x1x64xf32, #tpu.memory_space<hbm>> -> memref<64xf32, #tpu.memory_space<hbm>>
      tpu.enqueue_dma source(%dma_start3A_449 : memref<64xf32, #tpu.memory_space<hbm>>) target(%dma_start3A_446 : memref<64xf32, #tpu.memory_space<vmem>>) target_semaphore(%arg7 : memref<!tpu.dma_semaphore, #tpu.memory_space<semaphore_mem>>)
      %eq3A_450 = arith.constant 15 : i32
      %eq3A_451 = vector.broadcast %eq3A_450 : i32 to vector<16xi32>
      %eq3A_452 = arith.cmpi eq, %iota3A, %eq3A_451 : vector<16xi32>
      %jit3A_453 = arith.constant 0 : i32
      %broadcast_in_dim3A_454 = vector.broadcast %jit3A_453 : i32 to vector<16xi32>
      %select_n3A_455 = arith.select %eq3A_452, %get3A_52, %broadcast_in_dim3A_454 : vector<16xi1>, vector<16xi32>
      %reduce_sum3A_456 = arith.constant true
      %reduce_sum3A_457 = vector.broadcast %reduce_sum3A_456 : i1 to vector<16xi1>
      %reduce_sum3A_458 = tpu.scan <sum>, %select_n3A_455 masked %reduce_sum3A_457 : vector<16xi32>, vector<16xi1> -> vector<16xi32>
      %reduce_sum3A_459 = vector.extract %reduce_sum3A_458[15] : i32 from vector<16xi32>
      %shift_right_arithmetic3A_460 = arith.constant 4 : i32
      %shift_right_arithmetic3A_461 = arith.shrsi %reduce_sum3A_459, %shift_right_arithmetic3A_460 : i32
      %and3A_462 = arith.constant 15 : i32
      %and3A_463 = arith.andi %reduce_sum3A_459, %and3A_462 : i32
      %dma_start3A_464 = arith.constant 15 : i32
      %dma_start3A_465 = arith.constant 0 : i32
      %dma_start3A_466 = tpu.memref_slice %arg6[%scan3A_49, %dma_start3A_464, %dma_start3A_465] : memref<32x16x64xf32, #tpu.memory_space<vmem>> -> memref<1x1x64xf32, #tpu.memory_space<vmem>>
      %dma_start3A_467 = tpu.memref_squeeze %dma_start3A_466 : memref<1x1x64xf32, #tpu.memory_space<vmem>> -> memref<64xf32, #tpu.memory_space<vmem>>
      %dma_start3A_468 = arith.constant 0 : i32
      %dma_start3A_469 = tpu.memref_slice %arg3[%shift_right_arithmetic3A_461, %and3A_463, %dma_start3A_468] : memref<62500x16x64xf32, #tpu.memory_space<hbm>> -> memref<1x1x64xf32, #tpu.memory_space<hbm>>
      %dma_start3A_470 = tpu.memref_squeeze %dma_start3A_469 : memref<1x1x64xf32, #tpu.memory_space<hbm>> -> memref<64xf32, #tpu.memory_space<hbm>>
      %dma_start3A_471 = arith.constant 0 : i32
      %dma_start3A_472 = tpu.memref_slice %arg6[%scan3A_49, %dma_start3A_464, %dma_start3A_471] : memref<32x16x64xf32, #tpu.memory_space<vmem>> -> memref<1x1x64xf32, #tpu.memory_space<vmem>>
      %dma_start3A_473 = tpu.memref_squeeze %dma_start3A_472 : memref<1x1x64xf32, #tpu.memory_space<vmem>> -> memref<64xf32, #tpu.memory_space<vmem>>
      %dma_start3A_474 = arith.constant 0 : i32
      %dma_start3A_475 = tpu.memref_slice %arg3[%shift_right_arithmetic3A_461, %and3A_463, %dma_start3A_474] : memref<62500x16x64xf32, #tpu.memory_space<hbm>> -> memref<1x1x64xf32, #tpu.memory_space<hbm>>
      %dma_start3A_476 = tpu.memref_squeeze %dma_start3A_475 : memref<1x1x64xf32, #tpu.memory_space<hbm>> -> memref<64xf32, #tpu.memory_space<hbm>>
      tpu.enqueue_dma source(%dma_start3A_476 : memref<64xf32, #tpu.memory_space<hbm>>) target(%dma_start3A_473 : memref<64xf32, #tpu.memory_space<vmem>>) target_semaphore(%arg7 : memref<!tpu.dma_semaphore, #tpu.memory_space<semaphore_mem>>)
      %scan3A_477 = arith.constant 0 : i32
      scf.yield %scan3A_477 : i32
    }
    %scan3A_8 = arith.constant 16 : i32
    %scan3A_9 = arith.constant 0 : i32
    %scan3A_10 = arith.constant 16 : i32
    %scan3A_11 = arith.constant 16 : i32
    %scan3A_12 = arith.addi %scan3A_10, %scan3A_11 : i32
    %scan3A_13 = arith.constant 1 : i32
    %scan3A_14 = scf.for %scan3A_49 = %scan3A_10 to %scan3A_12 step %scan3A_13 iter_args(%scan3A_50 = %scan3A_9) -> (i32)  : i32 {
      %get3A = arith.index_cast %scan3A_49 : i32 to index
      %get3A_51 = arith.constant 0 : index
      %get3A_52 = tpu.vector_load %arg5[%get3A, %get3A_51] {strides = array<i32>} : memref<32x16xi32, #tpu.memory_space<vmem>>, vector<16xi32>,
      %eq3A = arith.constant 0 : i32
      %eq3A_53 = vector.broadcast %eq3A : i32 to vector<16xi32>
      %eq3A_54 = arith.cmpi eq, %iota3A, %eq3A_53 : vector<16xi32>
      %jit3A = arith.constant 0 : i32
      %broadcast_in_dim3A = vector.broadcast %jit3A : i32 to vector<16xi32>
      %select_n3A = arith.select %eq3A_54, %get3A_52, %broadcast_in_dim3A : vector<16xi1>, vector<16xi32>
      %reduce_sum3A = arith.constant true
      %reduce_sum3A_55 = vector.broadcast %reduce_sum3A : i1 to vector<16xi1>
      %reduce_sum3A_56 = tpu.scan <sum>, %select_n3A masked %reduce_sum3A_55 : vector<16xi32>, vector<16xi1> -> vector<16xi32>
      %reduce_sum3A_57 = vector.extract %reduce_sum3A_56[15] : i32 from vector<16xi32>
      %shift_right_arithmetic3A = arith.constant 4 : i32
      %shift_right_arithmetic3A_58 = arith.shrsi %reduce_sum3A_57, %shift_right_arithmetic3A : i32
      %and3A = arith.constant 15 : i32
      %and3A_59 = arith.andi %reduce_sum3A_57, %and3A : i32
      %dma_start3A = arith.constant 0 : i32
      %dma_start3A_60 = arith.constant 0 : i32
      %dma_start3A_61 = tpu.memref_slice %arg6[%scan3A_49, %dma_start3A, %dma_start3A_60] : memref<32x16x64xf32, #tpu.memory_space<vmem>> -> memref<1x1x64xf32, #tpu.memory_space<vmem>>
      %dma_start3A_62 = tpu.memref_squeeze %dma_start3A_61 : memref<1x1x64xf32, #tpu.memory_space<vmem>> -> memref<64xf32, #tpu.memory_space<vmem>>
      %dma_start3A_63 = arith.constant 0 : i32
      %dma_start3A_64 = tpu.memref_slice %arg3[%shift_right_arithmetic3A_58, %and3A_59, %dma_start3A_63] : memref<62500x16x64xf32, #tpu.memory_space<hbm>> -> memref<1x1x64xf32, #tpu.memory_space<hbm>>
      %dma_start3A_65 = tpu.memref_squeeze %dma_start3A_64 : memref<1x1x64xf32, #tpu.memory_space<hbm>> -> memref<64xf32, #tpu.memory_space<hbm>>
      %dma_start3A_66 = arith.constant 0 : i32
      %dma_start3A_67 = tpu.memref_slice %arg6[%scan3A_49, %dma_start3A, %dma_start3A_66] : memref<32x16x64xf32, #tpu.memory_space<vmem>> -> memref<1x1x64xf32, #tpu.memory_space<vmem>>
      %dma_start3A_68 = tpu.memref_squeeze %dma_start3A_67 : memref<1x1x64xf32, #tpu.memory_space<vmem>> -> memref<64xf32, #tpu.memory_space<vmem>>
      %dma_start3A_69 = arith.constant 0 : i32
      %dma_start3A_70 = tpu.memref_slice %arg3[%shift_right_arithmetic3A_58, %and3A_59, %dma_start3A_69] : memref<62500x16x64xf32, #tpu.memory_space<hbm>> -> memref<1x1x64xf32, #tpu.memory_space<hbm>>
      %dma_start3A_71 = tpu.memref_squeeze %dma_start3A_70 : memref<1x1x64xf32, #tpu.memory_space<hbm>> -> memref<64xf32, #tpu.memory_space<hbm>>
      tpu.enqueue_dma source(%dma_start3A_71 : memref<64xf32, #tpu.memory_space<hbm>>) target(%dma_start3A_68 : memref<64xf32, #tpu.memory_space<vmem>>) target_semaphore(%arg8 : memref<!tpu.dma_semaphore, #tpu.memory_space<semaphore_mem>>)
      %eq3A_72 = arith.constant 1 : i32
      %eq3A_73 = vector.broadcast %eq3A_72 : i32 to vector<16xi32>
      %eq3A_74 = arith.cmpi eq, %iota3A, %eq3A_73 : vector<16xi32>
      %jit3A_75 = arith.constant 0 : i32
      %broadcast_in_dim3A_76 = vector.broadcast %jit3A_75 : i32 to vector<16xi32>
      %select_n3A_77 = arith.select %eq3A_74, %get3A_52, %broadcast_in_dim3A_76 : vector<16xi1>, vector<16xi32>
      %reduce_sum3A_78 = arith.constant true
      %reduce_sum3A_79 = vector.broadcast %reduce_sum3A_78 : i1 to vector<16xi1>
      %reduce_sum3A_80 = tpu.scan <sum>, %select_n3A_77 masked %reduce_sum3A_79 : vector<16xi32>, vector<16xi1> -> vector<16xi32>
      %reduce_sum3A_81 = vector.extract %reduce_sum3A_80[15] : i32 from vector<16xi32>
      %shift_right_arithmetic3A_82 = arith.constant 4 : i32
      %shift_right_arithmetic3A_83 = arith.shrsi %reduce_sum3A_81, %shift_right_arithmetic3A_82 : i32
      %and3A_84 = arith.constant 15 : i32
      %and3A_85 = arith.andi %reduce_sum3A_81, %and3A_84 : i32
      %dma_start3A_86 = arith.constant 1 : i32
      %dma_start3A_87 = arith.constant 0 : i32
      %dma_start3A_88 = tpu.memref_slice %arg6[%scan3A_49, %dma_start3A_86, %dma_start3A_87] : memref<32x16x64xf32, #tpu.memory_space<vmem>> -> memref<1x1x64xf32, #tpu.memory_space<vmem>>
      %dma_start3A_89 = tpu.memref_squeeze %dma_start3A_88 : memref<1x1x64xf32, #tpu.memory_space<vmem>> -> memref<64xf32, #tpu.memory_space<vmem>>
      %dma_start3A_90 = arith.constant 0 : i32
      %dma_start3A_91 = tpu.memref_slice %arg3[%shift_right_arithmetic3A_83, %and3A_85, %dma_start3A_90] : memref<62500x16x64xf32, #tpu.memory_space<hbm>> -> memref<1x1x64xf32, #tpu.memory_space<hbm>>
      %dma_start3A_92 = tpu.memref_squeeze %dma_start3A_91 : memref<1x1x64xf32, #tpu.memory_space<hbm>> -> memref<64xf32, #tpu.memory_space<hbm>>
      %dma_start3A_93 = arith.constant 0 : i32
      %dma_start3A_94 = tpu.memref_slice %arg6[%scan3A_49, %dma_start3A_86, %dma_start3A_93] : memref<32x16x64xf32, #tpu.memory_space<vmem>> -> memref<1x1x64xf32, #tpu.memory_space<vmem>>
      %dma_start3A_95 = tpu.memref_squeeze %dma_start3A_94 : memref<1x1x64xf32, #tpu.memory_space<vmem>> -> memref<64xf32, #tpu.memory_space<vmem>>
      %dma_start3A_96 = arith.constant 0 : i32
      %dma_start3A_97 = tpu.memref_slice %arg3[%shift_right_arithmetic3A_83, %and3A_85, %dma_start3A_96] : memref<62500x16x64xf32, #tpu.memory_space<hbm>> -> memref<1x1x64xf32, #tpu.memory_space<hbm>>
      %dma_start3A_98 = tpu.memref_squeeze %dma_start3A_97 : memref<1x1x64xf32, #tpu.memory_space<hbm>> -> memref<64xf32, #tpu.memory_space<hbm>>
      tpu.enqueue_dma source(%dma_start3A_98 : memref<64xf32, #tpu.memory_space<hbm>>) target(%dma_start3A_95 : memref<64xf32, #tpu.memory_space<vmem>>) target_semaphore(%arg8 : memref<!tpu.dma_semaphore, #tpu.memory_space<semaphore_mem>>)
      %eq3A_99 = arith.constant 2 : i32
      %eq3A_100 = vector.broadcast %eq3A_99 : i32 to vector<16xi32>
      %eq3A_101 = arith.cmpi eq, %iota3A, %eq3A_100 : vector<16xi32>
      %jit3A_102 = arith.constant 0 : i32
      %broadcast_in_dim3A_103 = vector.broadcast %jit3A_102 : i32 to vector<16xi32>
      %select_n3A_104 = arith.select %eq3A_101, %get3A_52, %broadcast_in_dim3A_103 : vector<16xi1>, vector<16xi32>
      %reduce_sum3A_105 = arith.constant true
      %reduce_sum3A_106 = vector.broadcast %reduce_sum3A_105 : i1 to vector<16xi1>
      %reduce_sum3A_107 = tpu.scan <sum>, %select_n3A_104 masked %reduce_sum3A_106 : vector<16xi32>, vector<16xi1> -> vector<16xi32>
      %reduce_sum3A_108 = vector.extract %reduce_sum3A_107[15] : i32 from vector<16xi32>
      %shift_right_arithmetic3A_109 = arith.constant 4 : i32
      %shift_right_arithmetic3A_110 = arith.shrsi %reduce_sum3A_108, %shift_right_arithmetic3A_109 : i32
      %and3A_111 = arith.constant 15 : i32
      %and3A_112 = arith.andi %reduce_sum3A_108, %and3A_111 : i32
      %dma_start3A_113 = arith.constant 2 : i32
      %dma_start3A_114 = arith.constant 0 : i32
      %dma_start3A_115 = tpu.memref_slice %arg6[%scan3A_49, %dma_start3A_113, %dma_start3A_114] : memref<32x16x64xf32, #tpu.memory_space<vmem>> -> memref<1x1x64xf32, #tpu.memory_space<vmem>>
      %dma_start3A_116 = tpu.memref_squeeze %dma_start3A_115 : memref<1x1x64xf32, #tpu.memory_space<vmem>> -> memref<64xf32, #tpu.memory_space<vmem>>
      %dma_start3A_117 = arith.constant 0 : i32
      %dma_start3A_118 = tpu.memref_slice %arg3[%shift_right_arithmetic3A_110, %and3A_112, %dma_start3A_117] : memref<62500x16x64xf32, #tpu.memory_space<hbm>> -> memref<1x1x64xf32, #tpu.memory_space<hbm>>
      %dma_start3A_119 = tpu.memref_squeeze %dma_start3A_118 : memref<1x1x64xf32, #tpu.memory_space<hbm>> -> memref<64xf32, #tpu.memory_space<hbm>>
      %dma_start3A_120 = arith.constant 0 : i32
      %dma_start3A_121 = tpu.memref_slice %arg6[%scan3A_49, %dma_start3A_113, %dma_start3A_120] : memref<32x16x64xf32, #tpu.memory_space<vmem>> -> memref<1x1x64xf32, #tpu.memory_space<vmem>>
      %dma_start3A_122 = tpu.memref_squeeze %dma_start3A_121 : memref<1x1x64xf32, #tpu.memory_space<vmem>> -> memref<64xf32, #tpu.memory_space<vmem>>
      %dma_start3A_123 = arith.constant 0 : i32
      %dma_start3A_124 = tpu.memref_slice %arg3[%shift_right_arithmetic3A_110, %and3A_112, %dma_start3A_123] : memref<62500x16x64xf32, #tpu.memory_space<hbm>> -> memref<1x1x64xf32, #tpu.memory_space<hbm>>
      %dma_start3A_125 = tpu.memref_squeeze %dma_start3A_124 : memref<1x1x64xf32, #tpu.memory_space<hbm>> -> memref<64xf32, #tpu.memory_space<hbm>>
      tpu.enqueue_dma source(%dma_start3A_125 : memref<64xf32, #tpu.memory_space<hbm>>) target(%dma_start3A_122 : memref<64xf32, #tpu.memory_space<vmem>>) target_semaphore(%arg8 : memref<!tpu.dma_semaphore, #tpu.memory_space<semaphore_mem>>)
      %eq3A_126 = arith.constant 3 : i32
      %eq3A_127 = vector.broadcast %eq3A_126 : i32 to vector<16xi32>
      %eq3A_128 = arith.cmpi eq, %iota3A, %eq3A_127 : vector<16xi32>
      %jit3A_129 = arith.constant 0 : i32
      %broadcast_in_dim3A_130 = vector.broadcast %jit3A_129 : i32 to vector<16xi32>
      %select_n3A_131 = arith.select %eq3A_128, %get3A_52, %broadcast_in_dim3A_130 : vector<16xi1>, vector<16xi32>
      %reduce_sum3A_132 = arith.constant true
      %reduce_sum3A_133 = vector.broadcast %reduce_sum3A_132 : i1 to vector<16xi1>
      %reduce_sum3A_134 = tpu.scan <sum>, %select_n3A_131 masked %reduce_sum3A_133 : vector<16xi32>, vector<16xi1> -> vector<16xi32>
      %reduce_sum3A_135 = vector.extract %reduce_sum3A_134[15] : i32 from vector<16xi32>
      %shift_right_arithmetic3A_136 = arith.constant 4 : i32
      %shift_right_arithmetic3A_137 = arith.shrsi %reduce_sum3A_135, %shift_right_arithmetic3A_136 : i32
      %and3A_138 = arith.constant 15 : i32
      %and3A_139 = arith.andi %reduce_sum3A_135, %and3A_138 : i32
      %dma_start3A_140 = arith.constant 3 : i32
      %dma_start3A_141 = arith.constant 0 : i32
      %dma_start3A_142 = tpu.memref_slice %arg6[%scan3A_49, %dma_start3A_140, %dma_start3A_141] : memref<32x16x64xf32, #tpu.memory_space<vmem>> -> memref<1x1x64xf32, #tpu.memory_space<vmem>>
      %dma_start3A_143 = tpu.memref_squeeze %dma_start3A_142 : memref<1x1x64xf32, #tpu.memory_space<vmem>> -> memref<64xf32, #tpu.memory_space<vmem>>
      %dma_start3A_144 = arith.constant 0 : i32
      %dma_start3A_145 = tpu.memref_slice %arg3[%shift_right_arithmetic3A_137, %and3A_139, %dma_start3A_144] : memref<62500x16x64xf32, #tpu.memory_space<hbm>> -> memref<1x1x64xf32, #tpu.memory_space<hbm>>
      %dma_start3A_146 = tpu.memref_squeeze %dma_start3A_145 : memref<1x1x64xf32, #tpu.memory_space<hbm>> -> memref<64xf32, #tpu.memory_space<hbm>>
      %dma_start3A_147 = arith.constant 0 : i32
      %dma_start3A_148 = tpu.memref_slice %arg6[%scan3A_49, %dma_start3A_140, %dma_start3A_147] : memref<32x16x64xf32, #tpu.memory_space<vmem>> -> memref<1x1x64xf32, #tpu.memory_space<vmem>>
      %dma_start3A_149 = tpu.memref_squeeze %dma_start3A_148 : memref<1x1x64xf32, #tpu.memory_space<vmem>> -> memref<64xf32, #tpu.memory_space<vmem>>
      %dma_start3A_150 = arith.constant 0 : i32
      %dma_start3A_151 = tpu.memref_slice %arg3[%shift_right_arithmetic3A_137, %and3A_139, %dma_start3A_150] : memref<62500x16x64xf32, #tpu.memory_space<hbm>> -> memref<1x1x64xf32, #tpu.memory_space<hbm>>
      %dma_start3A_152 = tpu.memref_squeeze %dma_start3A_151 : memref<1x1x64xf32, #tpu.memory_space<hbm>> -> memref<64xf32, #tpu.memory_space<hbm>>
      tpu.enqueue_dma source(%dma_start3A_152 : memref<64xf32, #tpu.memory_space<hbm>>) target(%dma_start3A_149 : memref<64xf32, #tpu.memory_space<vmem>>) target_semaphore(%arg8 : memref<!tpu.dma_semaphore, #tpu.memory_space<semaphore_mem>>)
      %eq3A_153 = arith.constant 4 : i32
      %eq3A_154 = vector.broadcast %eq3A_153 : i32 to vector<16xi32>
      %eq3A_155 = arith.cmpi eq, %iota3A, %eq3A_154 : vector<16xi32>
      %jit3A_156 = arith.constant 0 : i32
      %broadcast_in_dim3A_157 = vector.broadcast %jit3A_156 : i32 to vector<16xi32>
      %select_n3A_158 = arith.select %eq3A_155, %get3A_52, %broadcast_in_dim3A_157 : vector<16xi1>, vector<16xi32>
      %reduce_sum3A_159 = arith.constant true
      %reduce_sum3A_160 = vector.broadcast %reduce_sum3A_159 : i1 to vector<16xi1>
      %reduce_sum3A_161 = tpu.scan <sum>, %select_n3A_158 masked %reduce_sum3A_160 : vector<16xi32>, vector<16xi1> -> vector<16xi32>
      %reduce_sum3A_162 = vector.extract %reduce_sum3A_161[15] : i32 from vector<16xi32>
      %shift_right_arithmetic3A_163 = arith.constant 4 : i32
      %shift_right_arithmetic3A_164 = arith.shrsi %reduce_sum3A_162, %shift_right_arithmetic3A_163 : i32
      %and3A_165 = arith.constant 15 : i32
      %and3A_166 = arith.andi %reduce_sum3A_162, %and3A_165 : i32
      %dma_start3A_167 = arith.constant 4 : i32
      %dma_start3A_168 = arith.constant 0 : i32
      %dma_start3A_169 = tpu.memref_slice %arg6[%scan3A_49, %dma_start3A_167, %dma_start3A_168] : memref<32x16x64xf32, #tpu.memory_space<vmem>> -> memref<1x1x64xf32, #tpu.memory_space<vmem>>
      %dma_start3A_170 = tpu.memref_squeeze %dma_start3A_169 : memref<1x1x64xf32, #tpu.memory_space<vmem>> -> memref<64xf32, #tpu.memory_space<vmem>>
      %dma_start3A_171 = arith.constant 0 : i32
      %dma_start3A_172 = tpu.memref_slice %arg3[%shift_right_arithmetic3A_164, %and3A_166, %dma_start3A_171] : memref<62500x16x64xf32, #tpu.memory_space<hbm>> -> memref<1x1x64xf32, #tpu.memory_space<hbm>>
      %dma_start3A_173 = tpu.memref_squeeze %dma_start3A_172 : memref<1x1x64xf32, #tpu.memory_space<hbm>> -> memref<64xf32, #tpu.memory_space<hbm>>
      %dma_start3A_174 = arith.constant 0 : i32
      %dma_start3A_175 = tpu.memref_slice %arg6[%scan3A_49, %dma_start3A_167, %dma_start3A_174] : memref<32x16x64xf32, #tpu.memory_space<vmem>> -> memref<1x1x64xf32, #tpu.memory_space<vmem>>
      %dma_start3A_176 = tpu.memref_squeeze %dma_start3A_175 : memref<1x1x64xf32, #tpu.memory_space<vmem>> -> memref<64xf32, #tpu.memory_space<vmem>>
      %dma_start3A_177 = arith.constant 0 : i32
      %dma_start3A_178 = tpu.memref_slice %arg3[%shift_right_arithmetic3A_164, %and3A_166, %dma_start3A_177] : memref<62500x16x64xf32, #tpu.memory_space<hbm>> -> memref<1x1x64xf32, #tpu.memory_space<hbm>>
      %dma_start3A_179 = tpu.memref_squeeze %dma_start3A_178 : memref<1x1x64xf32, #tpu.memory_space<hbm>> -> memref<64xf32, #tpu.memory_space<hbm>>
      tpu.enqueue_dma source(%dma_start3A_179 : memref<64xf32, #tpu.memory_space<hbm>>) target(%dma_start3A_176 : memref<64xf32, #tpu.memory_space<vmem>>) target_semaphore(%arg8 : memref<!tpu.dma_semaphore, #tpu.memory_space<semaphore_mem>>)
      %eq3A_180 = arith.constant 5 : i32
      %eq3A_181 = vector.broadcast %eq3A_180 : i32 to vector<16xi32>
      %eq3A_182 = arith.cmpi eq, %iota3A, %eq3A_181 : vector<16xi32>
      %jit3A_183 = arith.constant 0 : i32
      %broadcast_in_dim3A_184 = vector.broadcast %jit3A_183 : i32 to vector<16xi32>
      %select_n3A_185 = arith.select %eq3A_182, %get3A_52, %broadcast_in_dim3A_184 : vector<16xi1>, vector<16xi32>
      %reduce_sum3A_186 = arith.constant true
      %reduce_sum3A_187 = vector.broadcast %reduce_sum3A_186 : i1 to vector<16xi1>
      %reduce_sum3A_188 = tpu.scan <sum>, %select_n3A_185 masked %reduce_sum3A_187 : vector<16xi32>, vector<16xi1> -> vector<16xi32>
      %reduce_sum3A_189 = vector.extract %reduce_sum3A_188[15] : i32 from vector<16xi32>
      %shift_right_arithmetic3A_190 = arith.constant 4 : i32
      %shift_right_arithmetic3A_191 = arith.shrsi %reduce_sum3A_189, %shift_right_arithmetic3A_190 : i32
      %and3A_192 = arith.constant 15 : i32
      %and3A_193 = arith.andi %reduce_sum3A_189, %and3A_192 : i32
      %dma_start3A_194 = arith.constant 5 : i32
      %dma_start3A_195 = arith.constant 0 : i32
      %dma_start3A_196 = tpu.memref_slice %arg6[%scan3A_49, %dma_start3A_194, %dma_start3A_195] : memref<32x16x64xf32, #tpu.memory_space<vmem>> -> memref<1x1x64xf32, #tpu.memory_space<vmem>>
      %dma_start3A_197 = tpu.memref_squeeze %dma_start3A_196 : memref<1x1x64xf32, #tpu.memory_space<vmem>> -> memref<64xf32, #tpu.memory_space<vmem>>
      %dma_start3A_198 = arith.constant 0 : i32
      %dma_start3A_199 = tpu.memref_slice %arg3[%shift_right_arithmetic3A_191, %and3A_193, %dma_start3A_198] : memref<62500x16x64xf32, #tpu.memory_space<hbm>> -> memref<1x1x64xf32, #tpu.memory_space<hbm>>
      %dma_start3A_200 = tpu.memref_squeeze %dma_start3A_199 : memref<1x1x64xf32, #tpu.memory_space<hbm>> -> memref<64xf32, #tpu.memory_space<hbm>>
      %dma_start3A_201 = arith.constant 0 : i32
      %dma_start3A_202 = tpu.memref_slice %arg6[%scan3A_49, %dma_start3A_194, %dma_start3A_201] : memref<32x16x64xf32, #tpu.memory_space<vmem>> -> memref<1x1x64xf32, #tpu.memory_space<vmem>>
      %dma_start3A_203 = tpu.memref_squeeze %dma_start3A_202 : memref<1x1x64xf32, #tpu.memory_space<vmem>> -> memref<64xf32, #tpu.memory_space<vmem>>
      %dma_start3A_204 = arith.constant 0 : i32
      %dma_start3A_205 = tpu.memref_slice %arg3[%shift_right_arithmetic3A_191, %and3A_193, %dma_start3A_204] : memref<62500x16x64xf32, #tpu.memory_space<hbm>> -> memref<1x1x64xf32, #tpu.memory_space<hbm>>
      %dma_start3A_206 = tpu.memref_squeeze %dma_start3A_205 : memref<1x1x64xf32, #tpu.memory_space<hbm>> -> memref<64xf32, #tpu.memory_space<hbm>>
      tpu.enqueue_dma source(%dma_start3A_206 : memref<64xf32, #tpu.memory_space<hbm>>) target(%dma_start3A_203 : memref<64xf32, #tpu.memory_space<vmem>>) target_semaphore(%arg8 : memref<!tpu.dma_semaphore, #tpu.memory_space<semaphore_mem>>)
      %eq3A_207 = arith.constant 6 : i32
      %eq3A_208 = vector.broadcast %eq3A_207 : i32 to vector<16xi32>
      %eq3A_209 = arith.cmpi eq, %iota3A, %eq3A_208 : vector<16xi32>
      %jit3A_210 = arith.constant 0 : i32
      %broadcast_in_dim3A_211 = vector.broadcast %jit3A_210 : i32 to vector<16xi32>
      %select_n3A_212 = arith.select %eq3A_209, %get3A_52, %broadcast_in_dim3A_211 : vector<16xi1>, vector<16xi32>
      %reduce_sum3A_213 = arith.constant true
      %reduce_sum3A_214 = vector.broadcast %reduce_sum3A_213 : i1 to vector<16xi1>
      %reduce_sum3A_215 = tpu.scan <sum>, %select_n3A_212 masked %reduce_sum3A_214 : vector<16xi32>, vector<16xi1> -> vector<16xi32>
      %reduce_sum3A_216 = vector.extract %reduce_sum3A_215[15] : i32 from vector<16xi32>
      %shift_right_arithmetic3A_217 = arith.constant 4 : i32
      %shift_right_arithmetic3A_218 = arith.shrsi %reduce_sum3A_216, %shift_right_arithmetic3A_217 : i32
      %and3A_219 = arith.constant 15 : i32
      %and3A_220 = arith.andi %reduce_sum3A_216, %and3A_219 : i32
      %dma_start3A_221 = arith.constant 6 : i32
      %dma_start3A_222 = arith.constant 0 : i32
      %dma_start3A_223 = tpu.memref_slice %arg6[%scan3A_49, %dma_start3A_221, %dma_start3A_222] : memref<32x16x64xf32, #tpu.memory_space<vmem>> -> memref<1x1x64xf32, #tpu.memory_space<vmem>>
      %dma_start3A_224 = tpu.memref_squeeze %dma_start3A_223 : memref<1x1x64xf32, #tpu.memory_space<vmem>> -> memref<64xf32, #tpu.memory_space<vmem>>
      %dma_start3A_225 = arith.constant 0 : i32
      %dma_start3A_226 = tpu.memref_slice %arg3[%shift_right_arithmetic3A_218, %and3A_220, %dma_start3A_225] : memref<62500x16x64xf32, #tpu.memory_space<hbm>> -> memref<1x1x64xf32, #tpu.memory_space<hbm>>
      %dma_start3A_227 = tpu.memref_squeeze %dma_start3A_226 : memref<1x1x64xf32, #tpu.memory_space<hbm>> -> memref<64xf32, #tpu.memory_space<hbm>>
      %dma_start3A_228 = arith.constant 0 : i32
      %dma_start3A_229 = tpu.memref_slice %arg6[%scan3A_49, %dma_start3A_221, %dma_start3A_228] : memref<32x16x64xf32, #tpu.memory_space<vmem>> -> memref<1x1x64xf32, #tpu.memory_space<vmem>>
      %dma_start3A_230 = tpu.memref_squeeze %dma_start3A_229 : memref<1x1x64xf32, #tpu.memory_space<vmem>> -> memref<64xf32, #tpu.memory_space<vmem>>
      %dma_start3A_231 = arith.constant 0 : i32
      %dma_start3A_232 = tpu.memref_slice %arg3[%shift_right_arithmetic3A_218, %and3A_220, %dma_start3A_231] : memref<62500x16x64xf32, #tpu.memory_space<hbm>> -> memref<1x1x64xf32, #tpu.memory_space<hbm>>
      %dma_start3A_233 = tpu.memref_squeeze %dma_start3A_232 : memref<1x1x64xf32, #tpu.memory_space<hbm>> -> memref<64xf32, #tpu.memory_space<hbm>>
      tpu.enqueue_dma source(%dma_start3A_233 : memref<64xf32, #tpu.memory_space<hbm>>) target(%dma_start3A_230 : memref<64xf32, #tpu.memory_space<vmem>>) target_semaphore(%arg8 : memref<!tpu.dma_semaphore, #tpu.memory_space<semaphore_mem>>)
      %eq3A_234 = arith.constant 7 : i32
      %eq3A_235 = vector.broadcast %eq3A_234 : i32 to vector<16xi32>
      %eq3A_236 = arith.cmpi eq, %iota3A, %eq3A_235 : vector<16xi32>
      %jit3A_237 = arith.constant 0 : i32
      %broadcast_in_dim3A_238 = vector.broadcast %jit3A_237 : i32 to vector<16xi32>
      %select_n3A_239 = arith.select %eq3A_236, %get3A_52, %broadcast_in_dim3A_238 : vector<16xi1>, vector<16xi32>
      %reduce_sum3A_240 = arith.constant true
      %reduce_sum3A_241 = vector.broadcast %reduce_sum3A_240 : i1 to vector<16xi1>
      %reduce_sum3A_242 = tpu.scan <sum>, %select_n3A_239 masked %reduce_sum3A_241 : vector<16xi32>, vector<16xi1> -> vector<16xi32>
      %reduce_sum3A_243 = vector.extract %reduce_sum3A_242[15] : i32 from vector<16xi32>
      %shift_right_arithmetic3A_244 = arith.constant 4 : i32
      %shift_right_arithmetic3A_245 = arith.shrsi %reduce_sum3A_243, %shift_right_arithmetic3A_244 : i32
      %and3A_246 = arith.constant 15 : i32
      %and3A_247 = arith.andi %reduce_sum3A_243, %and3A_246 : i32
      %dma_start3A_248 = arith.constant 7 : i32
      %dma_start3A_249 = arith.constant 0 : i32
      %dma_start3A_250 = tpu.memref_slice %arg6[%scan3A_49, %dma_start3A_248, %dma_start3A_249] : memref<32x16x64xf32, #tpu.memory_space<vmem>> -> memref<1x1x64xf32, #tpu.memory_space<vmem>>
      %dma_start3A_251 = tpu.memref_squeeze %dma_start3A_250 : memref<1x1x64xf32, #tpu.memory_space<vmem>> -> memref<64xf32, #tpu.memory_space<vmem>>
      %dma_start3A_252 = arith.constant 0 : i32
      %dma_start3A_253 = tpu.memref_slice %arg3[%shift_right_arithmetic3A_245, %and3A_247, %dma_start3A_252] : memref<62500x16x64xf32, #tpu.memory_space<hbm>> -> memref<1x1x64xf32, #tpu.memory_space<hbm>>
      %dma_start3A_254 = tpu.memref_squeeze %dma_start3A_253 : memref<1x1x64xf32, #tpu.memory_space<hbm>> -> memref<64xf32, #tpu.memory_space<hbm>>
      %dma_start3A_255 = arith.constant 0 : i32
      %dma_start3A_256 = tpu.memref_slice %arg6[%scan3A_49, %dma_start3A_248, %dma_start3A_255] : memref<32x16x64xf32, #tpu.memory_space<vmem>> -> memref<1x1x64xf32, #tpu.memory_space<vmem>>
      %dma_start3A_257 = tpu.memref_squeeze %dma_start3A_256 : memref<1x1x64xf32, #tpu.memory_space<vmem>> -> memref<64xf32, #tpu.memory_space<vmem>>
      %dma_start3A_258 = arith.constant 0 : i32
      %dma_start3A_259 = tpu.memref_slice %arg3[%shift_right_arithmetic3A_245, %and3A_247, %dma_start3A_258] : memref<62500x16x64xf32, #tpu.memory_space<hbm>> -> memref<1x1x64xf32, #tpu.memory_space<hbm>>
      %dma_start3A_260 = tpu.memref_squeeze %dma_start3A_259 : memref<1x1x64xf32, #tpu.memory_space<hbm>> -> memref<64xf32, #tpu.memory_space<hbm>>
      tpu.enqueue_dma source(%dma_start3A_260 : memref<64xf32, #tpu.memory_space<hbm>>) target(%dma_start3A_257 : memref<64xf32, #tpu.memory_space<vmem>>) target_semaphore(%arg8 : memref<!tpu.dma_semaphore, #tpu.memory_space<semaphore_mem>>)
      %eq3A_261 = arith.constant 8 : i32
      %eq3A_262 = vector.broadcast %eq3A_261 : i32 to vector<16xi32>
      %eq3A_263 = arith.cmpi eq, %iota3A, %eq3A_262 : vector<16xi32>
      %jit3A_264 = arith.constant 0 : i32
      %broadcast_in_dim3A_265 = vector.broadcast %jit3A_264 : i32 to vector<16xi32>
      %select_n3A_266 = arith.select %eq3A_263, %get3A_52, %broadcast_in_dim3A_265 : vector<16xi1>, vector<16xi32>
      %reduce_sum3A_267 = arith.constant true
      %reduce_sum3A_268 = vector.broadcast %reduce_sum3A_267 : i1 to vector<16xi1>
      %reduce_sum3A_269 = tpu.scan <sum>, %select_n3A_266 masked %reduce_sum3A_268 : vector<16xi32>, vector<16xi1> -> vector<16xi32>
      %reduce_sum3A_270 = vector.extract %reduce_sum3A_269[15] : i32 from vector<16xi32>
      %shift_right_arithmetic3A_271 = arith.constant 4 : i32
      %shift_right_arithmetic3A_272 = arith.shrsi %reduce_sum3A_270, %shift_right_arithmetic3A_271 : i32
      %and3A_273 = arith.constant 15 : i32
      %and3A_274 = arith.andi %reduce_sum3A_270, %and3A_273 : i32
      %dma_start3A_275 = arith.constant 8 : i32
      %dma_start3A_276 = arith.constant 0 : i32
      %dma_start3A_277 = tpu.memref_slice %arg6[%scan3A_49, %dma_start3A_275, %dma_start3A_276] : memref<32x16x64xf32, #tpu.memory_space<vmem>> -> memref<1x1x64xf32, #tpu.memory_space<vmem>>
      %dma_start3A_278 = tpu.memref_squeeze %dma_start3A_277 : memref<1x1x64xf32, #tpu.memory_space<vmem>> -> memref<64xf32, #tpu.memory_space<vmem>>
      %dma_start3A_279 = arith.constant 0 : i32
      %dma_start3A_280 = tpu.memref_slice %arg3[%shift_right_arithmetic3A_272, %and3A_274, %dma_start3A_279] : memref<62500x16x64xf32, #tpu.memory_space<hbm>> -> memref<1x1x64xf32, #tpu.memory_space<hbm>>
      %dma_start3A_281 = tpu.memref_squeeze %dma_start3A_280 : memref<1x1x64xf32, #tpu.memory_space<hbm>> -> memref<64xf32, #tpu.memory_space<hbm>>
      %dma_start3A_282 = arith.constant 0 : i32
      %dma_start3A_283 = tpu.memref_slice %arg6[%scan3A_49, %dma_start3A_275, %dma_start3A_282] : memref<32x16x64xf32, #tpu.memory_space<vmem>> -> memref<1x1x64xf32, #tpu.memory_space<vmem>>
      %dma_start3A_284 = tpu.memref_squeeze %dma_start3A_283 : memref<1x1x64xf32, #tpu.memory_space<vmem>> -> memref<64xf32, #tpu.memory_space<vmem>>
      %dma_start3A_285 = arith.constant 0 : i32
      %dma_start3A_286 = tpu.memref_slice %arg3[%shift_right_arithmetic3A_272, %and3A_274, %dma_start3A_285] : memref<62500x16x64xf32, #tpu.memory_space<hbm>> -> memref<1x1x64xf32, #tpu.memory_space<hbm>>
      %dma_start3A_287 = tpu.memref_squeeze %dma_start3A_286 : memref<1x1x64xf32, #tpu.memory_space<hbm>> -> memref<64xf32, #tpu.memory_space<hbm>>
      tpu.enqueue_dma source(%dma_start3A_287 : memref<64xf32, #tpu.memory_space<hbm>>) target(%dma_start3A_284 : memref<64xf32, #tpu.memory_space<vmem>>) target_semaphore(%arg8 : memref<!tpu.dma_semaphore, #tpu.memory_space<semaphore_mem>>)
      %eq3A_288 = arith.constant 9 : i32
      %eq3A_289 = vector.broadcast %eq3A_288 : i32 to vector<16xi32>
      %eq3A_290 = arith.cmpi eq, %iota3A, %eq3A_289 : vector<16xi32>
      %jit3A_291 = arith.constant 0 : i32
      %broadcast_in_dim3A_292 = vector.broadcast %jit3A_291 : i32 to vector<16xi32>
      %select_n3A_293 = arith.select %eq3A_290, %get3A_52, %broadcast_in_dim3A_292 : vector<16xi1>, vector<16xi32>
      %reduce_sum3A_294 = arith.constant true
      %reduce_sum3A_295 = vector.broadcast %reduce_sum3A_294 : i1 to vector<16xi1>
      %reduce_sum3A_296 = tpu.scan <sum>, %select_n3A_293 masked %reduce_sum3A_295 : vector<16xi32>, vector<16xi1> -> vector<16xi32>
      %reduce_sum3A_297 = vector.extract %reduce_sum3A_296[15] : i32 from vector<16xi32>
      %shift_right_arithmetic3A_298 = arith.constant 4 : i32
      %shift_right_arithmetic3A_299 = arith.shrsi %reduce_sum3A_297, %shift_right_arithmetic3A_298 : i32
      %and3A_300 = arith.constant 15 : i32
      %and3A_301 = arith.andi %reduce_sum3A_297, %and3A_300 : i32
      %dma_start3A_302 = arith.constant 9 : i32
      %dma_start3A_303 = arith.constant 0 : i32
      %dma_start3A_304 = tpu.memref_slice %arg6[%scan3A_49, %dma_start3A_302, %dma_start3A_303] : memref<32x16x64xf32, #tpu.memory_space<vmem>> -> memref<1x1x64xf32, #tpu.memory_space<vmem>>
      %dma_start3A_305 = tpu.memref_squeeze %dma_start3A_304 : memref<1x1x64xf32, #tpu.memory_space<vmem>> -> memref<64xf32, #tpu.memory_space<vmem>>
      %dma_start3A_306 = arith.constant 0 : i32
      %dma_start3A_307 = tpu.memref_slice %arg3[%shift_right_arithmetic3A_299, %and3A_301, %dma_start3A_306] : memref<62500x16x64xf32, #tpu.memory_space<hbm>> -> memref<1x1x64xf32, #tpu.memory_space<hbm>>
      %dma_start3A_308 = tpu.memref_squeeze %dma_start3A_307 : memref<1x1x64xf32, #tpu.memory_space<hbm>> -> memref<64xf32, #tpu.memory_space<hbm>>
      %dma_start3A_309 = arith.constant 0 : i32
      %dma_start3A_310 = tpu.memref_slice %arg6[%scan3A_49, %dma_start3A_302, %dma_start3A_309] : memref<32x16x64xf32, #tpu.memory_space<vmem>> -> memref<1x1x64xf32, #tpu.memory_space<vmem>>
      %dma_start3A_311 = tpu.memref_squeeze %dma_start3A_310 : memref<1x1x64xf32, #tpu.memory_space<vmem>> -> memref<64xf32, #tpu.memory_space<vmem>>
      %dma_start3A_312 = arith.constant 0 : i32
      %dma_start3A_313 = tpu.memref_slice %arg3[%shift_right_arithmetic3A_299, %and3A_301, %dma_start3A_312] : memref<62500x16x64xf32, #tpu.memory_space<hbm>> -> memref<1x1x64xf32, #tpu.memory_space<hbm>>
      %dma_start3A_314 = tpu.memref_squeeze %dma_start3A_313 : memref<1x1x64xf32, #tpu.memory_space<hbm>> -> memref<64xf32, #tpu.memory_space<hbm>>
      tpu.enqueue_dma source(%dma_start3A_314 : memref<64xf32, #tpu.memory_space<hbm>>) target(%dma_start3A_311 : memref<64xf32, #tpu.memory_space<vmem>>) target_semaphore(%arg8 : memref<!tpu.dma_semaphore, #tpu.memory_space<semaphore_mem>>)
      %eq3A_315 = arith.constant 10 : i32
      %eq3A_316 = vector.broadcast %eq3A_315 : i32 to vector<16xi32>
      %eq3A_317 = arith.cmpi eq, %iota3A, %eq3A_316 : vector<16xi32>
      %jit3A_318 = arith.constant 0 : i32
      %broadcast_in_dim3A_319 = vector.broadcast %jit3A_318 : i32 to vector<16xi32>
      %select_n3A_320 = arith.select %eq3A_317, %get3A_52, %broadcast_in_dim3A_319 : vector<16xi1>, vector<16xi32>
      %reduce_sum3A_321 = arith.constant true
      %reduce_sum3A_322 = vector.broadcast %reduce_sum3A_321 : i1 to vector<16xi1>
      %reduce_sum3A_323 = tpu.scan <sum>, %select_n3A_320 masked %reduce_sum3A_322 : vector<16xi32>, vector<16xi1> -> vector<16xi32>
      %reduce_sum3A_324 = vector.extract %reduce_sum3A_323[15] : i32 from vector<16xi32>
      %shift_right_arithmetic3A_325 = arith.constant 4 : i32
      %shift_right_arithmetic3A_326 = arith.shrsi %reduce_sum3A_324, %shift_right_arithmetic3A_325 : i32
      %and3A_327 = arith.constant 15 : i32
      %and3A_328 = arith.andi %reduce_sum3A_324, %and3A_327 : i32
      %dma_start3A_329 = arith.constant 10 : i32
      %dma_start3A_330 = arith.constant 0 : i32
      %dma_start3A_331 = tpu.memref_slice %arg6[%scan3A_49, %dma_start3A_329, %dma_start3A_330] : memref<32x16x64xf32, #tpu.memory_space<vmem>> -> memref<1x1x64xf32, #tpu.memory_space<vmem>>
      %dma_start3A_332 = tpu.memref_squeeze %dma_start3A_331 : memref<1x1x64xf32, #tpu.memory_space<vmem>> -> memref<64xf32, #tpu.memory_space<vmem>>
      %dma_start3A_333 = arith.constant 0 : i32
      %dma_start3A_334 = tpu.memref_slice %arg3[%shift_right_arithmetic3A_326, %and3A_328, %dma_start3A_333] : memref<62500x16x64xf32, #tpu.memory_space<hbm>> -> memref<1x1x64xf32, #tpu.memory_space<hbm>>
      %dma_start3A_335 = tpu.memref_squeeze %dma_start3A_334 : memref<1x1x64xf32, #tpu.memory_space<hbm>> -> memref<64xf32, #tpu.memory_space<hbm>>
      %dma_start3A_336 = arith.constant 0 : i32
      %dma_start3A_337 = tpu.memref_slice %arg6[%scan3A_49, %dma_start3A_329, %dma_start3A_336] : memref<32x16x64xf32, #tpu.memory_space<vmem>> -> memref<1x1x64xf32, #tpu.memory_space<vmem>>
      %dma_start3A_338 = tpu.memref_squeeze %dma_start3A_337 : memref<1x1x64xf32, #tpu.memory_space<vmem>> -> memref<64xf32, #tpu.memory_space<vmem>>
      %dma_start3A_339 = arith.constant 0 : i32
      %dma_start3A_340 = tpu.memref_slice %arg3[%shift_right_arithmetic3A_326, %and3A_328, %dma_start3A_339] : memref<62500x16x64xf32, #tpu.memory_space<hbm>> -> memref<1x1x64xf32, #tpu.memory_space<hbm>>
      %dma_start3A_341 = tpu.memref_squeeze %dma_start3A_340 : memref<1x1x64xf32, #tpu.memory_space<hbm>> -> memref<64xf32, #tpu.memory_space<hbm>>
      tpu.enqueue_dma source(%dma_start3A_341 : memref<64xf32, #tpu.memory_space<hbm>>) target(%dma_start3A_338 : memref<64xf32, #tpu.memory_space<vmem>>) target_semaphore(%arg8 : memref<!tpu.dma_semaphore, #tpu.memory_space<semaphore_mem>>)
      %eq3A_342 = arith.constant 11 : i32
      %eq3A_343 = vector.broadcast %eq3A_342 : i32 to vector<16xi32>
      %eq3A_344 = arith.cmpi eq, %iota3A, %eq3A_343 : vector<16xi32>
      %jit3A_345 = arith.constant 0 : i32
      %broadcast_in_dim3A_346 = vector.broadcast %jit3A_345 : i32 to vector<16xi32>
      %select_n3A_347 = arith.select %eq3A_344, %get3A_52, %broadcast_in_dim3A_346 : vector<16xi1>, vector<16xi32>
      %reduce_sum3A_348 = arith.constant true
      %reduce_sum3A_349 = vector.broadcast %reduce_sum3A_348 : i1 to vector<16xi1>
      %reduce_sum3A_350 = tpu.scan <sum>, %select_n3A_347 masked %reduce_sum3A_349 : vector<16xi32>, vector<16xi1> -> vector<16xi32>
      %reduce_sum3A_351 = vector.extract %reduce_sum3A_350[15] : i32 from vector<16xi32>
      %shift_right_arithmetic3A_352 = arith.constant 4 : i32
      %shift_right_arithmetic3A_353 = arith.shrsi %reduce_sum3A_351, %shift_right_arithmetic3A_352 : i32
      %and3A_354 = arith.constant 15 : i32
      %and3A_355 = arith.andi %reduce_sum3A_351, %and3A_354 : i32
      %dma_start3A_356 = arith.constant 11 : i32
      %dma_start3A_357 = arith.constant 0 : i32
      %dma_start3A_358 = tpu.memref_slice %arg6[%scan3A_49, %dma_start3A_356, %dma_start3A_357] : memref<32x16x64xf32, #tpu.memory_space<vmem>> -> memref<1x1x64xf32, #tpu.memory_space<vmem>>
      %dma_start3A_359 = tpu.memref_squeeze %dma_start3A_358 : memref<1x1x64xf32, #tpu.memory_space<vmem>> -> memref<64xf32, #tpu.memory_space<vmem>>
      %dma_start3A_360 = arith.constant 0 : i32
      %dma_start3A_361 = tpu.memref_slice %arg3[%shift_right_arithmetic3A_353, %and3A_355, %dma_start3A_360] : memref<62500x16x64xf32, #tpu.memory_space<hbm>> -> memref<1x1x64xf32, #tpu.memory_space<hbm>>
      %dma_start3A_362 = tpu.memref_squeeze %dma_start3A_361 : memref<1x1x64xf32, #tpu.memory_space<hbm>> -> memref<64xf32, #tpu.memory_space<hbm>>
      %dma_start3A_363 = arith.constant 0 : i32
      %dma_start3A_364 = tpu.memref_slice %arg6[%scan3A_49, %dma_start3A_356, %dma_start3A_363] : memref<32x16x64xf32, #tpu.memory_space<vmem>> -> memref<1x1x64xf32, #tpu.memory_space<vmem>>
      %dma_start3A_365 = tpu.memref_squeeze %dma_start3A_364 : memref<1x1x64xf32, #tpu.memory_space<vmem>> -> memref<64xf32, #tpu.memory_space<vmem>>
      %dma_start3A_366 = arith.constant 0 : i32
      %dma_start3A_367 = tpu.memref_slice %arg3[%shift_right_arithmetic3A_353, %and3A_355, %dma_start3A_366] : memref<62500x16x64xf32, #tpu.memory_space<hbm>> -> memref<1x1x64xf32, #tpu.memory_space<hbm>>
      %dma_start3A_368 = tpu.memref_squeeze %dma_start3A_367 : memref<1x1x64xf32, #tpu.memory_space<hbm>> -> memref<64xf32, #tpu.memory_space<hbm>>
      tpu.enqueue_dma source(%dma_start3A_368 : memref<64xf32, #tpu.memory_space<hbm>>) target(%dma_start3A_365 : memref<64xf32, #tpu.memory_space<vmem>>) target_semaphore(%arg8 : memref<!tpu.dma_semaphore, #tpu.memory_space<semaphore_mem>>)
      %eq3A_369 = arith.constant 12 : i32
      %eq3A_370 = vector.broadcast %eq3A_369 : i32 to vector<16xi32>
      %eq3A_371 = arith.cmpi eq, %iota3A, %eq3A_370 : vector<16xi32>
      %jit3A_372 = arith.constant 0 : i32
      %broadcast_in_dim3A_373 = vector.broadcast %jit3A_372 : i32 to vector<16xi32>
      %select_n3A_374 = arith.select %eq3A_371, %get3A_52, %broadcast_in_dim3A_373 : vector<16xi1>, vector<16xi32>
      %reduce_sum3A_375 = arith.constant true
      %reduce_sum3A_376 = vector.broadcast %reduce_sum3A_375 : i1 to vector<16xi1>
      %reduce_sum3A_377 = tpu.scan <sum>, %select_n3A_374 masked %reduce_sum3A_376 : vector<16xi32>, vector<16xi1> -> vector<16xi32>
      %reduce_sum3A_378 = vector.extract %reduce_sum3A_377[15] : i32 from vector<16xi32>
      %shift_right_arithmetic3A_379 = arith.constant 4 : i32
      %shift_right_arithmetic3A_380 = arith.shrsi %reduce_sum3A_378, %shift_right_arithmetic3A_379 : i32
      %and3A_381 = arith.constant 15 : i32
      %and3A_382 = arith.andi %reduce_sum3A_378, %and3A_381 : i32
      %dma_start3A_383 = arith.constant 12 : i32
      %dma_start3A_384 = arith.constant 0 : i32
      %dma_start3A_385 = tpu.memref_slice %arg6[%scan3A_49, %dma_start3A_383, %dma_start3A_384] : memref<32x16x64xf32, #tpu.memory_space<vmem>> -> memref<1x1x64xf32, #tpu.memory_space<vmem>>
      %dma_start3A_386 = tpu.memref_squeeze %dma_start3A_385 : memref<1x1x64xf32, #tpu.memory_space<vmem>> -> memref<64xf32, #tpu.memory_space<vmem>>
      %dma_start3A_387 = arith.constant 0 : i32
      %dma_start3A_388 = tpu.memref_slice %arg3[%shift_right_arithmetic3A_380, %and3A_382, %dma_start3A_387] : memref<62500x16x64xf32, #tpu.memory_space<hbm>> -> memref<1x1x64xf32, #tpu.memory_space<hbm>>
      %dma_start3A_389 = tpu.memref_squeeze %dma_start3A_388 : memref<1x1x64xf32, #tpu.memory_space<hbm>> -> memref<64xf32, #tpu.memory_space<hbm>>
      %dma_start3A_390 = arith.constant 0 : i32
      %dma_start3A_391 = tpu.memref_slice %arg6[%scan3A_49, %dma_start3A_383, %dma_start3A_390] : memref<32x16x64xf32, #tpu.memory_space<vmem>> -> memref<1x1x64xf32, #tpu.memory_space<vmem>>
      %dma_start3A_392 = tpu.memref_squeeze %dma_start3A_391 : memref<1x1x64xf32, #tpu.memory_space<vmem>> -> memref<64xf32, #tpu.memory_space<vmem>>
      %dma_start3A_393 = arith.constant 0 : i32
      %dma_start3A_394 = tpu.memref_slice %arg3[%shift_right_arithmetic3A_380, %and3A_382, %dma_start3A_393] : memref<62500x16x64xf32, #tpu.memory_space<hbm>> -> memref<1x1x64xf32, #tpu.memory_space<hbm>>
      %dma_start3A_395 = tpu.memref_squeeze %dma_start3A_394 : memref<1x1x64xf32, #tpu.memory_space<hbm>> -> memref<64xf32, #tpu.memory_space<hbm>>
      tpu.enqueue_dma source(%dma_start3A_395 : memref<64xf32, #tpu.memory_space<hbm>>) target(%dma_start3A_392 : memref<64xf32, #tpu.memory_space<vmem>>) target_semaphore(%arg8 : memref<!tpu.dma_semaphore, #tpu.memory_space<semaphore_mem>>)
      %eq3A_396 = arith.constant 13 : i32
      %eq3A_397 = vector.broadcast %eq3A_396 : i32 to vector<16xi32>
      %eq3A_398 = arith.cmpi eq, %iota3A, %eq3A_397 : vector<16xi32>
      %jit3A_399 = arith.constant 0 : i32
      %broadcast_in_dim3A_400 = vector.broadcast %jit3A_399 : i32 to vector<16xi32>
      %select_n3A_401 = arith.select %eq3A_398, %get3A_52, %broadcast_in_dim3A_400 : vector<16xi1>, vector<16xi32>
      %reduce_sum3A_402 = arith.constant true
      %reduce_sum3A_403 = vector.broadcast %reduce_sum3A_402 : i1 to vector<16xi1>
      %reduce_sum3A_404 = tpu.scan <sum>, %select_n3A_401 masked %reduce_sum3A_403 : vector<16xi32>, vector<16xi1> -> vector<16xi32>
      %reduce_sum3A_405 = vector.extract %reduce_sum3A_404[15] : i32 from vector<16xi32>
      %shift_right_arithmetic3A_406 = arith.constant 4 : i32
      %shift_right_arithmetic3A_407 = arith.shrsi %reduce_sum3A_405, %shift_right_arithmetic3A_406 : i32
      %and3A_408 = arith.constant 15 : i32
      %and3A_409 = arith.andi %reduce_sum3A_405, %and3A_408 : i32
      %dma_start3A_410 = arith.constant 13 : i32
      %dma_start3A_411 = arith.constant 0 : i32
      %dma_start3A_412 = tpu.memref_slice %arg6[%scan3A_49, %dma_start3A_410, %dma_start3A_411] : memref<32x16x64xf32, #tpu.memory_space<vmem>> -> memref<1x1x64xf32, #tpu.memory_space<vmem>>
      %dma_start3A_413 = tpu.memref_squeeze %dma_start3A_412 : memref<1x1x64xf32, #tpu.memory_space<vmem>> -> memref<64xf32, #tpu.memory_space<vmem>>
      %dma_start3A_414 = arith.constant 0 : i32
      %dma_start3A_415 = tpu.memref_slice %arg3[%shift_right_arithmetic3A_407, %and3A_409, %dma_start3A_414] : memref<62500x16x64xf32, #tpu.memory_space<hbm>> -> memref<1x1x64xf32, #tpu.memory_space<hbm>>
      %dma_start3A_416 = tpu.memref_squeeze %dma_start3A_415 : memref<1x1x64xf32, #tpu.memory_space<hbm>> -> memref<64xf32, #tpu.memory_space<hbm>>
      %dma_start3A_417 = arith.constant 0 : i32
      %dma_start3A_418 = tpu.memref_slice %arg6[%scan3A_49, %dma_start3A_410, %dma_start3A_417] : memref<32x16x64xf32, #tpu.memory_space<vmem>> -> memref<1x1x64xf32, #tpu.memory_space<vmem>>
      %dma_start3A_419 = tpu.memref_squeeze %dma_start3A_418 : memref<1x1x64xf32, #tpu.memory_space<vmem>> -> memref<64xf32, #tpu.memory_space<vmem>>
      %dma_start3A_420 = arith.constant 0 : i32
      %dma_start3A_421 = tpu.memref_slice %arg3[%shift_right_arithmetic3A_407, %and3A_409, %dma_start3A_420] : memref<62500x16x64xf32, #tpu.memory_space<hbm>> -> memref<1x1x64xf32, #tpu.memory_space<hbm>>
      %dma_start3A_422 = tpu.memref_squeeze %dma_start3A_421 : memref<1x1x64xf32, #tpu.memory_space<hbm>> -> memref<64xf32, #tpu.memory_space<hbm>>
      tpu.enqueue_dma source(%dma_start3A_422 : memref<64xf32, #tpu.memory_space<hbm>>) target(%dma_start3A_419 : memref<64xf32, #tpu.memory_space<vmem>>) target_semaphore(%arg8 : memref<!tpu.dma_semaphore, #tpu.memory_space<semaphore_mem>>)
      %eq3A_423 = arith.constant 14 : i32
      %eq3A_424 = vector.broadcast %eq3A_423 : i32 to vector<16xi32>
      %eq3A_425 = arith.cmpi eq, %iota3A, %eq3A_424 : vector<16xi32>
      %jit3A_426 = arith.constant 0 : i32
      %broadcast_in_dim3A_427 = vector.broadcast %jit3A_426 : i32 to vector<16xi32>
      %select_n3A_428 = arith.select %eq3A_425, %get3A_52, %broadcast_in_dim3A_427 : vector<16xi1>, vector<16xi32>
      %reduce_sum3A_429 = arith.constant true
      %reduce_sum3A_430 = vector.broadcast %reduce_sum3A_429 : i1 to vector<16xi1>
      %reduce_sum3A_431 = tpu.scan <sum>, %select_n3A_428 masked %reduce_sum3A_430 : vector<16xi32>, vector<16xi1> -> vector<16xi32>
      %reduce_sum3A_432 = vector.extract %reduce_sum3A_431[15] : i32 from vector<16xi32>
      %shift_right_arithmetic3A_433 = arith.constant 4 : i32
      %shift_right_arithmetic3A_434 = arith.shrsi %reduce_sum3A_432, %shift_right_arithmetic3A_433 : i32
      %and3A_435 = arith.constant 15 : i32
      %and3A_436 = arith.andi %reduce_sum3A_432, %and3A_435 : i32
      %dma_start3A_437 = arith.constant 14 : i32
      %dma_start3A_438 = arith.constant 0 : i32
      %dma_start3A_439 = tpu.memref_slice %arg6[%scan3A_49, %dma_start3A_437, %dma_start3A_438] : memref<32x16x64xf32, #tpu.memory_space<vmem>> -> memref<1x1x64xf32, #tpu.memory_space<vmem>>
      %dma_start3A_440 = tpu.memref_squeeze %dma_start3A_439 : memref<1x1x64xf32, #tpu.memory_space<vmem>> -> memref<64xf32, #tpu.memory_space<vmem>>
      %dma_start3A_441 = arith.constant 0 : i32
      %dma_start3A_442 = tpu.memref_slice %arg3[%shift_right_arithmetic3A_434, %and3A_436, %dma_start3A_441] : memref<62500x16x64xf32, #tpu.memory_space<hbm>> -> memref<1x1x64xf32, #tpu.memory_space<hbm>>
      %dma_start3A_443 = tpu.memref_squeeze %dma_start3A_442 : memref<1x1x64xf32, #tpu.memory_space<hbm>> -> memref<64xf32, #tpu.memory_space<hbm>>
      %dma_start3A_444 = arith.constant 0 : i32
      %dma_start3A_445 = tpu.memref_slice %arg6[%scan3A_49, %dma_start3A_437, %dma_start3A_444] : memref<32x16x64xf32, #tpu.memory_space<vmem>> -> memref<1x1x64xf32, #tpu.memory_space<vmem>>
      %dma_start3A_446 = tpu.memref_squeeze %dma_start3A_445 : memref<1x1x64xf32, #tpu.memory_space<vmem>> -> memref<64xf32, #tpu.memory_space<vmem>>
      %dma_start3A_447 = arith.constant 0 : i32
      %dma_start3A_448 = tpu.memref_slice %arg3[%shift_right_arithmetic3A_434, %and3A_436, %dma_start3A_447] : memref<62500x16x64xf32, #tpu.memory_space<hbm>> -> memref<1x1x64xf32, #tpu.memory_space<hbm>>
      %dma_start3A_449 = tpu.memref_squeeze %dma_start3A_448 : memref<1x1x64xf32, #tpu.memory_space<hbm>> -> memref<64xf32, #tpu.memory_space<hbm>>
      tpu.enqueue_dma source(%dma_start3A_449 : memref<64xf32, #tpu.memory_space<hbm>>) target(%dma_start3A_446 : memref<64xf32, #tpu.memory_space<vmem>>) target_semaphore(%arg8 : memref<!tpu.dma_semaphore, #tpu.memory_space<semaphore_mem>>)
      %eq3A_450 = arith.constant 15 : i32
      %eq3A_451 = vector.broadcast %eq3A_450 : i32 to vector<16xi32>
      %eq3A_452 = arith.cmpi eq, %iota3A, %eq3A_451 : vector<16xi32>
      %jit3A_453 = arith.constant 0 : i32
      %broadcast_in_dim3A_454 = vector.broadcast %jit3A_453 : i32 to vector<16xi32>
      %select_n3A_455 = arith.select %eq3A_452, %get3A_52, %broadcast_in_dim3A_454 : vector<16xi1>, vector<16xi32>
      %reduce_sum3A_456 = arith.constant true
      %reduce_sum3A_457 = vector.broadcast %reduce_sum3A_456 : i1 to vector<16xi1>
      %reduce_sum3A_458 = tpu.scan <sum>, %select_n3A_455 masked %reduce_sum3A_457 : vector<16xi32>, vector<16xi1> -> vector<16xi32>
      %reduce_sum3A_459 = vector.extract %reduce_sum3A_458[15] : i32 from vector<16xi32>
      %shift_right_arithmetic3A_460 = arith.constant 4 : i32
      %shift_right_arithmetic3A_461 = arith.shrsi %reduce_sum3A_459, %shift_right_arithmetic3A_460 : i32
      %and3A_462 = arith.constant 15 : i32
      %and3A_463 = arith.andi %reduce_sum3A_459, %and3A_462 : i32
      %dma_start3A_464 = arith.constant 15 : i32
      %dma_start3A_465 = arith.constant 0 : i32
      %dma_start3A_466 = tpu.memref_slice %arg6[%scan3A_49, %dma_start3A_464, %dma_start3A_465] : memref<32x16x64xf32, #tpu.memory_space<vmem>> -> memref<1x1x64xf32, #tpu.memory_space<vmem>>
      %dma_start3A_467 = tpu.memref_squeeze %dma_start3A_466 : memref<1x1x64xf32, #tpu.memory_space<vmem>> -> memref<64xf32, #tpu.memory_space<vmem>>
      %dma_start3A_468 = arith.constant 0 : i32
      %dma_start3A_469 = tpu.memref_slice %arg3[%shift_right_arithmetic3A_461, %and3A_463, %dma_start3A_468] : memref<62500x16x64xf32, #tpu.memory_space<hbm>> -> memref<1x1x64xf32, #tpu.memory_space<hbm>>
      %dma_start3A_470 = tpu.memref_squeeze %dma_start3A_469 : memref<1x1x64xf32, #tpu.memory_space<hbm>> -> memref<64xf32, #tpu.memory_space<hbm>>
      %dma_start3A_471 = arith.constant 0 : i32
      %dma_start3A_472 = tpu.memref_slice %arg6[%scan3A_49, %dma_start3A_464, %dma_start3A_471] : memref<32x16x64xf32, #tpu.memory_space<vmem>> -> memref<1x1x64xf32, #tpu.memory_space<vmem>>
      %dma_start3A_473 = tpu.memref_squeeze %dma_start3A_472 : memref<1x1x64xf32, #tpu.memory_space<vmem>> -> memref<64xf32, #tpu.memory_space<vmem>>
      %dma_start3A_474 = arith.constant 0 : i32
      %dma_start3A_475 = tpu.memref_slice %arg3[%shift_right_arithmetic3A_461, %and3A_463, %dma_start3A_474] : memref<62500x16x64xf32, #tpu.memory_space<hbm>> -> memref<1x1x64xf32, #tpu.memory_space<hbm>>
      %dma_start3A_476 = tpu.memref_squeeze %dma_start3A_475 : memref<1x1x64xf32, #tpu.memory_space<hbm>> -> memref<64xf32, #tpu.memory_space<hbm>>
      tpu.enqueue_dma source(%dma_start3A_476 : memref<64xf32, #tpu.memory_space<hbm>>) target(%dma_start3A_473 : memref<64xf32, #tpu.memory_space<vmem>>) target_semaphore(%arg8 : memref<!tpu.dma_semaphore, #tpu.memory_space<semaphore_mem>>)
      %scan3A_477 = arith.constant 0 : i32
      scf.yield %scan3A_477 : i32
    }
    %scan3A_15 = arith.constant 16 : i32
    %dma_wait3A = arith.constant 0 : i32
    %dma_wait3A_16 = arith.constant 0 : i32
    %dma_wait3A_17 = arith.constant 0 : i32
    %dma_wait3A_18 = tpu.memref_slice %arg6[%dma_wait3A, %dma_wait3A_16, %dma_wait3A_17] : memref<32x16x64xf32, #tpu.memory_space<vmem>> -> memref<16x16x64xf32, #tpu.memory_space<vmem>>
    %dma_wait3A_19 = arith.constant 0 : i32
    %dma_wait3A_20 = arith.constant 0 : i32
    %dma_wait3A_21 = arith.constant 0 : i32
    %dma_wait3A_22 = tpu.memref_slice %arg3[%dma_wait3A_19, %dma_wait3A_20, %dma_wait3A_21] : memref<62500x16x64xf32, #tpu.memory_space<hbm>> -> memref<16x16x64xf32, #tpu.memory_space<hbm>>
    %dma_wait3A_23 = arith.constant 0 : i32
    %dma_wait3A_24 = arith.constant 0 : i32
    %dma_wait3A_25 = arith.constant 0 : i32
    %dma_wait3A_26 = tpu.memref_slice %arg6[%dma_wait3A_23, %dma_wait3A_24, %dma_wait3A_25] : memref<32x16x64xf32, #tpu.memory_space<vmem>> -> memref<16x16x64xf32, #tpu.memory_space<vmem>>
    %dma_wait3A_27 = arith.constant 0 : i32
    %dma_wait3A_28 = arith.constant 0 : i32
    %dma_wait3A_29 = arith.constant 0 : i32
    %dma_wait3A_30 = tpu.memref_slice %arg3[%dma_wait3A_27, %dma_wait3A_28, %dma_wait3A_29] : memref<62500x16x64xf32, #tpu.memory_space<hbm>> -> memref<16x16x64xf32, #tpu.memory_space<hbm>>
    tpu.wait_dma2 semaphore(%arg7 : memref<!tpu.dma_semaphore, #tpu.memory_space<semaphore_mem>>) src(%dma_wait3A_30 : memref<16x16x64xf32, #tpu.memory_space<hbm>>) dst(%dma_wait3A_26 : memref<16x16x64xf32, #tpu.memory_space<vmem>>)
    "tpu.region"() ({
      %run_scoped3A = tpu.sem_alloc : memref<!tpu.dma_semaphore, #tpu.memory_space<semaphore_mem>>
      %dma_start3A = arith.constant 0 : i32
      %dma_start3A_49 = arith.constant 0 : i32
      %dma_start3A_50 = arith.constant 0 : i32
      %dma_start3A_51 = tpu.memref_slice %arg6[%dma_start3A, %dma_start3A_49, %dma_start3A_50] : memref<32x16x64xf32, #tpu.memory_space<vmem>> -> memref<16x16x64xf32, #tpu.memory_space<vmem>>
      %dma_start3A_52 = arith.constant 0 : i32
      %dma_start3A_53 = arith.constant 0 : i32
      %dma_start3A_54 = tpu.memref_slice %arg4[%mul3A_2, %dma_start3A_52, %dma_start3A_53] : memref<1024x16x64xf32, #tpu.memory_space<hbm>> -> memref<16x16x64xf32, #tpu.memory_space<hbm>>
      %dma_start3A_55 = arith.constant 0 : i32
      %dma_start3A_56 = arith.constant 0 : i32
      %dma_start3A_57 = tpu.memref_slice %arg4[%mul3A_2, %dma_start3A_55, %dma_start3A_56] : memref<1024x16x64xf32, #tpu.memory_space<hbm>> -> memref<16x16x64xf32, #tpu.memory_space<hbm>>
      %dma_start3A_58 = arith.constant 0 : i32
      %dma_start3A_59 = arith.constant 0 : i32
      %dma_start3A_60 = arith.constant 0 : i32
      %dma_start3A_61 = tpu.memref_slice %arg6[%dma_start3A_58, %dma_start3A_59, %dma_start3A_60] : memref<32x16x64xf32, #tpu.memory_space<vmem>> -> memref<16x16x64xf32, #tpu.memory_space<vmem>>
      tpu.enqueue_dma source(%dma_start3A_61 : memref<16x16x64xf32, #tpu.memory_space<vmem>>) target(%dma_start3A_57 : memref<16x16x64xf32, #tpu.memory_space<hbm>>) target_semaphore(%run_scoped3A : memref<!tpu.dma_semaphore, #tpu.memory_space<semaphore_mem>>)
      %dma_wait3A_62 = arith.constant 0 : i32
      %dma_wait3A_63 = arith.constant 0 : i32
      %dma_wait3A_64 = arith.constant 0 : i32
      %dma_wait3A_65 = tpu.memref_slice %arg6[%dma_wait3A_62, %dma_wait3A_63, %dma_wait3A_64] : memref<32x16x64xf32, #tpu.memory_space<vmem>> -> memref<16x16x64xf32, #tpu.memory_space<vmem>>
      %dma_wait3A_66 = arith.constant 0 : i32
      %dma_wait3A_67 = arith.constant 0 : i32
      %dma_wait3A_68 = tpu.memref_slice %arg4[%mul3A_2, %dma_wait3A_66, %dma_wait3A_67] : memref<1024x16x64xf32, #tpu.memory_space<hbm>> -> memref<16x16x64xf32, #tpu.memory_space<hbm>>
      %dma_wait3A_69 = arith.constant 0 : i32
      %dma_wait3A_70 = arith.constant 0 : i32
      %dma_wait3A_71 = tpu.memref_slice %arg4[%mul3A_2, %dma_wait3A_69, %dma_wait3A_70] : memref<1024x16x64xf32, #tpu.memory_space<hbm>> -> memref<16x16x64xf32, #tpu.memory_space<hbm>>
      %dma_wait3A_72 = arith.constant 0 : i32
      %dma_wait3A_73 = arith.constant 0 : i32
      %dma_wait3A_74 = arith.constant 0 : i32
      %dma_wait3A_75 = tpu.memref_slice %arg6[%dma_wait3A_72, %dma_wait3A_73, %dma_wait3A_74] : memref<32x16x64xf32, #tpu.memory_space<vmem>> -> memref<16x16x64xf32, #tpu.memory_space<vmem>>
      tpu.wait_dma2 semaphore(%run_scoped3A : memref<!tpu.dma_semaphore, #tpu.memory_space<semaphore_mem>>) src(%dma_wait3A_75 : memref<16x16x64xf32, #tpu.memory_space<vmem>>) dst(%dma_wait3A_71 : memref<16x16x64xf32, #tpu.memory_space<hbm>>)
      tpu.yield
    }) : () -> ()
    %dma_wait3A_31 = arith.constant 16 : i32
    %dma_wait3A_32 = arith.constant 0 : i32
    %dma_wait3A_33 = arith.constant 0 : i32
    %dma_wait3A_34 = tpu.memref_slice %arg6[%dma_wait3A_31, %dma_wait3A_32, %dma_wait3A_33] : memref<32x16x64xf32, #tpu.memory_space<vmem>> -> memref<16x16x64xf32, #tpu.memory_space<vmem>>
    %dma_wait3A_35 = arith.constant 0 : i32
    %dma_wait3A_36 = arith.constant 0 : i32
    %dma_wait3A_37 = arith.constant 0 : i32
    %dma_wait3A_38 = tpu.memref_slice %arg3[%dma_wait3A_35, %dma_wait3A_36, %dma_wait3A_37] : memref<62500x16x64xf32, #tpu.memory_space<hbm>> -> memref<16x16x64xf32, #tpu.memory_space<hbm>>
    %dma_wait3A_39 = arith.constant 16 : i32
    %dma_wait3A_40 = arith.constant 0 : i32
    %dma_wait3A_41 = arith.constant 0 : i32
    %dma_wait3A_42 = tpu.memref_slice %arg6[%dma_wait3A_39, %dma_wait3A_40, %dma_wait3A_41] : memref<32x16x64xf32, #tpu.memory_space<vmem>> -> memref<16x16x64xf32, #tpu.memory_space<vmem>>
    %dma_wait3A_43 = arith.constant 0 : i32
    %dma_wait3A_44 = arith.constant 0 : i32
    %dma_wait3A_45 = arith.constant 0 : i32
    %dma_wait3A_46 = tpu.memref_slice %arg3[%dma_wait3A_43, %dma_wait3A_44, %dma_wait3A_45] : memref<62500x16x64xf32, #tpu.memory_space<hbm>> -> memref<16x16x64xf32, #tpu.memory_space<hbm>>
    tpu.wait_dma2 semaphore(%arg8 : memref<!tpu.dma_semaphore, #tpu.memory_space<semaphore_mem>>) src(%dma_wait3A_46 : memref<16x16x64xf32, #tpu.memory_space<hbm>>) dst(%dma_wait3A_42 : memref<16x16x64xf32, #tpu.memory_space<vmem>>)
    %add3A_47 = arith.constant 16 : i32
    %add3A_48 = arith.addi %mul3A_2, %add3A_47 : i32
    "tpu.region"() ({
      %run_scoped3A = tpu.sem_alloc : memref<!tpu.dma_semaphore, #tpu.memory_space<semaphore_mem>>
      %dma_start3A = arith.constant 16 : i32
      %dma_start3A_49 = arith.constant 0 : i32
      %dma_start3A_50 = arith.constant 0 : i32
      %dma_start3A_51 = tpu.memref_slice %arg6[%dma_start3A, %dma_start3A_49, %dma_start3A_50] : memref<32x16x64xf32, #tpu.memory_space<vmem>> -> memref<16x16x64xf32, #tpu.memory_space<vmem>>
      %dma_start3A_52 = arith.constant 0 : i32
      %dma_start3A_53 = arith.constant 0 : i32
      %dma_start3A_54 = tpu.memref_slice %arg4[%add3A_48, %dma_start3A_52, %dma_start3A_53] : memref<1024x16x64xf32, #tpu.memory_space<hbm>> -> memref<16x16x64xf32, #tpu.memory_space<hbm>>
      %dma_start3A_55 = arith.constant 0 : i32
      %dma_start3A_56 = arith.constant 0 : i32
      %dma_start3A_57 = tpu.memref_slice %arg4[%add3A_48, %dma_start3A_55, %dma_start3A_56] : memref<1024x16x64xf32, #tpu.memory_space<hbm>> -> memref<16x16x64xf32, #tpu.memory_space<hbm>>
      %dma_start3A_58 = arith.constant 16 : i32
      %dma_start3A_59 = arith.constant 0 : i32
      %dma_start3A_60 = arith.constant 0 : i32
      %dma_start3A_61 = tpu.memref_slice %arg6[%dma_start3A_58, %dma_start3A_59, %dma_start3A_60] : memref<32x16x64xf32, #tpu.memory_space<vmem>> -> memref<16x16x64xf32, #tpu.memory_space<vmem>>
      tpu.enqueue_dma source(%dma_start3A_61 : memref<16x16x64xf32, #tpu.memory_space<vmem>>) target(%dma_start3A_57 : memref<16x16x64xf32, #tpu.memory_space<hbm>>) target_semaphore(%run_scoped3A : memref<!tpu.dma_semaphore, #tpu.memory_space<semaphore_mem>>)
      %dma_wait3A_62 = arith.constant 16 : i32
      %dma_wait3A_63 = arith.constant 0 : i32
      %dma_wait3A_64 = arith.constant 0 : i32
      %dma_wait3A_65 = tpu.memref_slice %arg6[%dma_wait3A_62, %dma_wait3A_63, %dma_wait3A_64] : memref<32x16x64xf32, #tpu.memory_space<vmem>> -> memref<16x16x64xf32, #tpu.memory_space<vmem>>
      %dma_wait3A_66 = arith.constant 0 : i32
      %dma_wait3A_67 = arith.constant 0 : i32
      %dma_wait3A_68 = tpu.memref_slice %arg4[%add3A_48, %dma_wait3A_66, %dma_wait3A_67] : memref<1024x16x64xf32, #tpu.memory_space<hbm>> -> memref<16x16x64xf32, #tpu.memory_space<hbm>>
      %dma_wait3A_69 = arith.constant 0 : i32
      %dma_wait3A_70 = arith.constant 0 : i32
      %dma_wait3A_71 = tpu.memref_slice %arg4[%add3A_48, %dma_wait3A_69, %dma_wait3A_70] : memref<1024x16x64xf32, #tpu.memory_space<hbm>> -> memref<16x16x64xf32, #tpu.memory_space<hbm>>
      %dma_wait3A_72 = arith.constant 16 : i32
      %dma_wait3A_73 = arith.constant 0 : i32
      %dma_wait3A_74 = arith.constant 0 : i32
      %dma_wait3A_75 = tpu.memref_slice %arg6[%dma_wait3A_72, %dma_wait3A_73, %dma_wait3A_74] : memref<32x16x64xf32, #tpu.memory_space<vmem>> -> memref<16x16x64xf32, #tpu.memory_space<vmem>>
      tpu.wait_dma2 semaphore(%run_scoped3A : memref<!tpu.dma_semaphore, #tpu.memory_space<semaphore_mem>>) src(%dma_wait3A_75 : memref<16x16x64xf32, #tpu.memory_space<vmem>>) dst(%dma_wait3A_71 : memref<16x16x64xf32, #tpu.memory_space<hbm>>)
      tpu.yield
    }) : () -> ()
    return
  }
}

</mosaic_0001>

<sc_bundles>
// kernel: kernel.3.cloned.1.call-start
scs
__scs_entry_jumppad:
0x0: {  	(pc) =	sbr.rel $0x88, $3  }
0x1: {  	(tag) =	ssettag $0x0;
	lr =	simm.s32 $0x1  }
0x2: {  	[smem:$0x3F9F] =	sst lr;
	_ =	strace $0xD0000000  }
0x3: {  	_ = 	snop  }
0x4: {  	_ = 	snop  }
0x5: {  	_ = 	snop  }
0x6: {  	_ = 	snop  }
0x7: {  	_ = 	snop  }
__scs_overlays_trampoline_lowered:
0x8: {  	[smem:$0x3FAE] =	sst s0  }
0x9: {  	[smem:$0x3FAF] =	sst s1  }
0xa: {  	[smem:$0x3FB0] =	sst s2  }
0xb: {  	[smem:$0x3FB1] =	sst s3  }
0xc: {  	[smem:$0x3FB2] =	sst s4  }
0xd: {  	[smem:$0x3FB3] =	sst s5  }
0xe: {  	[smem:$0x3FB4] =	sst s6  }
0xf: {  	[smem:$0x3FB5] =	sst s7  }
0x10: {  	[smem:$0x3FB6] =	sst s8  }
0x11: {  	[smem:$0x3FB7] =	sst s9;
	s0 =	simm.s32 @!p0 $0x0  }
0x12: {  	s1 =	sld [smem:$0x3F9D];
	s0 =	simm.s32 @p0 $0x1  }
0x13: {  	[smem:$0x3FB8] =	sst s0;
	s0 =	simm.s32 @!p1 $0x0  }
0x14: {  	s2 =	sld [smem:$0x3F9C];
	s0 =	simm.s32 @p1 $0x1  }
0x15: {  	[smem:$0x3FB9] =	sst s0;
	s0 =	simm.s32 @!p2 $0x0  }
0x16: {  	s3 =	sld [smem:$0x3FDB];
	s0 =	simm.s32 @p2 $0x1  }
0x17: {  	s4 =	simm.s32 $0x1BF5;
	[smem:$0x3FBB] =	sst s0  }
0x18: {  	s0 =	sld [smem:$0x3F9E];
	_ =	swait.ge [sflag:s4], $0x0  }
0x19: {  	s7 =	sld [smem:$0x3F9F]  }
0x1a: {  	s8 =	sadd.s32 $0xFFFFE003, lr  }
0x1b: {  	s9 =	sadd.s32 $0xFFFFFEF7, lr;
	s5 =	simm.s32 $0xFFFFFFFF;
	p2 =	slt.u32 s8, $0xFFFFF086  }
0x1c: {  	p1 =	slt.u32 s9, $0xF7A;
	s5 =	simm.s32 @!p2 $0x0  }
0x1d: {  	s5 =	simm.s32 @p1 $0x1;
	p0 =	seq.s32 s7, s2  }
0x1e: {  	s7 =	smul.u32 @!p0 $0xF7A, s2;
	p2 =	seq.s32 @!p0 s5, $0x0  }
0x1f: {  	s9 =	smul.u32 $0xF7A, s1;
	s8 =	simm.s32 @!p0 $0x1BF5;
	p2 =	por !p2, p0  }
0x20: {  	[sflag:s8] =	ssyncset.s32 @!p0 $0xFFFFF086;
	s6 =	sadd.s32 @!p0 s3, s7;
	s7 =	simm.s32 @!p0 $0x108  }
0x21: {  	s3 =	sadd.s32 s3, s9;
	s6 =	sadd.s32 @!p0 $0x88, s6;
	s7 =	simm.s32 @p2 $0x1082  }
0x22: {  	[simem:s7], [sflag:s8] =	dma.local @!p0 [hbm:s6], $0xF7A  }
0x23: {  	s9 =	sor.u32 $0xD0000000, s2;
	s6 =	simm.s32 $0x108;
	_ =	swait.ge @!p0 [sflag:s8], $0x0  }
0x24: {  	s3 =	sadd.s32 $0x88, s3;
	s6 =	simm.s32 @!p1 $0x1082;
	[sflag:s4] =	ssyncset.s32 $0xFFFFF086  }
0x25: {  	[simem:s6], [sflag:s4] =	dma.local [hbm:s3], $0xF7A  }
0x26: {  	[smem:$0x3F9F] =	sst s1;
	(tag) =	ssettag s2;
	_ =	strace s9  }
0x27: {  	s1 =	sld [smem:$0x3FAF]  }
0x28: {  	s2 =	sld [smem:$0x3FB0]  }
0x29: {  	s4 =	sld [smem:$0x3FB2]  }
0x2a: {  	p0 =	seq.s32 s5, $0x0;
	s5 =	sld [smem:$0x3FB3]  }
0x2b: {  	s6 =	sld [smem:$0x3FB4]  }
0x2c: {  	s7 =	sld [smem:$0x3FB5]  }
0x2d: {  	s3 =	simm.s32 $0x108;
	s8 =	sld [smem:$0x3FB6]  }
0x2e: {  	s3 =	simm.s32 @!p0 $0x1082;
	s9 =	sld [smem:$0x3FB7]  }
0x2f: {  	lr =	sadd.s32 s0, s3;
	s0 =	sld [smem:$0x3FAE]  }
0x30: {  	s3 =	sld [smem:$0x3FB1]  }
0x31: {  	[smem:$0x3FBA] =	sst s10  }
0x32: {  	s10 =	sld [smem:$0x3FB8];
	_ =	sdelay $0x3  }
0x33: {  	p0 =	seq.s32 s10, $0x1;
	s10 =	sld [smem:$0x3FBA];
	_ =	sdelay $0x3  }
0x34: {  	[smem:$0x3FBA] =	sst s10  }
0x35: {  	s10 =	sld [smem:$0x3FB9];
	_ =	sdelay $0x3  }
0x36: {  	p1 =	seq.s32 s10, $0x1;
	s10 =	sld [smem:$0x3FBA];
	_ =	sdelay $0x3  }
0x37: {  	[smem:$0x3FBA] =	sst s10  }
0x38: {  	s10 =	sld [smem:$0x3FBB]  }
0x39: {  	_ = 	snop;
	(pc) =	sbr.ind lr, $3  }
0x3a: {  	_ = 	snop  }
0x3b: {  	_ = 	snop  }
0x3c: {  	p2 =	seq.s32 s10, $0x1;
	s10 =	sld [smem:$0x3FBA]  }
0x3d: {  	_ =	shalt  }
0x3e: {  	_ =	shalt  }
0x3f: {  	_ =	shalt  }
0x40: {  	_ =	shalt  }
0x41: {  	_ =	shalt  }
0x42: {  	_ =	shalt  }
0x43: {  	_ =	shalt  }
0x44: {  	_ =	shalt  }
0x45: {  	_ =	shalt  }
0x46: {  	_ =	shalt  }
0x47: {  	_ =	shalt  }
0x48: {  	_ =	shalt  }
0x49: {  	_ =	shalt  }
0x4a: {  	_ =	shalt  }
0x4b: {  	_ =	shalt  }
0x4c: {  	_ =	shalt  }
0x4d: {  	_ =	shalt  }
0x4e: {  	_ =	shalt  }
0x4f: {  	_ =	shalt  }
0x50: {  	_ =	shalt  }
0x51: {  	_ =	shalt  }
0x52: {  	_ =	shalt  }
0x53: {  	_ =	shalt  }
0x54: {  	_ =	shalt  }
0x55: {  	_ =	shalt  }
0x56: {  	_ =	shalt  }
0x57: {  	_ =	shalt  }
0x58: {  	_ =	shalt  }
0x59: {  	_ =	shalt  }
0x5a: {  	_ =	shalt  }
0x5b: {  	_ =	shalt  }
0x5c: {  	_ =	shalt  }
0x5d: {  	_ =	shalt  }
0x5e: {  	_ =	shalt  }
0x5f: {  	_ =	shalt  }
0x60: {  	_ =	shalt  }
0x61: {  	_ =	shalt  }
0x62: {  	_ =	shalt  }
0x63: {  	_ =	shalt  }
0x64: {  	_ =	shalt  }
0x65: {  	_ =	shalt  }
0x66: {  	_ =	shalt  }
0x67: {  	_ =	shalt  }
0x68: {  	_ =	shalt  }
0x69: {  	_ =	shalt  }
0x6a: {  	_ =	shalt  }
0x6b: {  	_ =	shalt  }
0x6c: {  	_ =	shalt  }
0x6d: {  	_ =	shalt  }
0x6e: {  	_ =	shalt  }
0x6f: {  	_ =	shalt  }
0x70: {  	_ =	shalt  }
0x71: {  	_ =	shalt  }
0x72: {  	_ =	shalt  }
0x73: {  	_ =	shalt  }
0x74: {  	_ =	shalt  }
0x75: {  	_ =	shalt  }
0x76: {  	_ =	shalt  }
0x77: {  	_ =	shalt  }
0x78: {  	_ =	shalt  }
0x79: {  	_ =	shalt  }
0x7a: {  	_ =	shalt  }
0x7b: {  	_ =	shalt  }
0x7c: {  	_ =	shalt  }
0x7d: {  	_ =	shalt  }
0x7e: {  	_ =	shalt  }
0x7f: {  	_ =	shalt  }
0x80: {  	_ =	shalt  }
0x81: {  	_ =	shalt  }
0x82: {  	_ =	shalt  }
0x83: {  	_ =	shalt  }
0x84: {  	_ =	shalt  }
0x85: {  	_ =	shalt  }
0x86: {  	_ =	shalt  }
0x87: {  	_ =	shalt  }
.Lfunc_end0:
.L_simem_size_0:
called_computation_lowered:
.L_overlay_start_0:
0x88: {  	s2 =	sld [smem:$0x3FD9]  }
0x89: {  	s3 =	sld [smem:$0x3FFE];
	_ =	sdelay $0x1  }
0x8a: {  	s1 =	srdreg.scid  }
0x8b: {  	s0 =	sand.u32 $0x1, s1  }
0x8c: {  	s17 =	sshll.u32 s0, $0xA;
	s2 =	sadd.s32 s3, s2  }
0x8d: {  	s2 =	sadd.s32 s2, s17  }
0x8e: {  	[smem:$0x3FC6] =	sst s2  }
0x8f: {  	_ = 	snop  }
0x90: {  	s2 =	sld [smem:$0x3FD0];
	(tm) =	ssettm $0x1  }
0x91: {  	s18 =	sld [smem:$0x3FFB];
	_ =	sdelay $0x3  }
0x92: {  	_ =	strace s18  }
0x93: {  	s3 =	sld [smem:$0x3FFC];
	_ =	sdelay $0x3  }
0x94: {  	_ =	strace s3  }
0x95: {  	s3 =	sld [smem:$0x3FFD];
	_ =	sdelay $0x3  }
0x96: {  	_ =	strace s3  }
0x97: {  	_ =	strace $0x8FFFFFFF  }
0x98: {  	s19 =	sld [smem:$0x3FDB];
	_ =	sdelay $0x1  }
0x99: {  	s4 =	simm.s32 $_scs_section_size  }
0x9a: {  	s5 =	simm.s32 $_size__tile_overlayer_lowered;
	s6 =	simm.s32 $_tile_overlayer_lowered  }
0x9b: {  	s22 =	simm.s32 $0x1BFF;
	s21 =	sshll.u32 s6, $0x1;
	s3 =	sadd.s32 s4, s19  }
0x9c: {  	s7 =	simm.s32 $0x0;
	s20 =	sshll.u32 s5, $0x1;
	s5 =	sadd.s32 s21, s3  }
0x9d: {  	[timem:s7], [sflag:s22] =	dma.local [hbm:s5], s20  }
0x9e: {  	_ =	swait.ge [sflag:s22], s20  }
0x9f: {  	s4 =	ssub.s32 $0x0, s20;
	[sflag:s22] =	ssyncset.done $0x0  }
0xa0: {  	[sflag:s22] =	ssyncadd.s32 s4;
	_ =	sdelay $0x1  }
0xa1: {  	s23 =	simm.s32 $0x1B8B  }
0xa2: {  	_ =	swait.ge [sflag:s23], $0x1  }
0xa3: {  	[sflag:s23] =	ssyncset.done $0x0  }
0xa4: {  	s25 =	simm.s32 $0x1B8E;
	s24 =	sld [smem:$0x3FFE];
	[sflag:s23] =	ssyncadd.s32 $0xFFFFFFFF  }
0xa5: {  	s26 =	simm.s32 $execute0_lowered;
	[smem:$0x3FD2] =	sst s25  }
0xa6: {  	s5 =	sshll.u32 s26, $0x1;
	_ =	strace $0x80000046;
	[dreg:$0x1] =	wrdreg $0xFFFFFFFF  }
0xa7: {  	s28 =	simm.s32 $_size_execute0_lowered;
	s3 =	sadd.s32 s3, s5;
	[dreg:$0x0] =	wrdreg $0x0  }
0xa8: {  	s5 =	sshll.u32 s28, $0x1;
	[dreg:$0x2] =	wrdreg s3  }
0xa9: {  	[dreg:$0x3] =	wrdreg s5  }
0xaa: {  	[dreg:$0x4] =	wrdreg $0xC0  }
0xab: {  	_ =	task [dreg:s7], $0x5FFFF  }
0xac: {  	[dreg:$0x1] =	wrdreg $0xFFFFFFFF  }
0xad: {  	[dreg:$0x0] =	wrdreg $0x60  }
0xae: {  	[dreg:$0x2] =	wrdreg s2  }
0xaf: {  	[dreg:$0x3] =	wrdreg s24  }
0xb0: {  	[dreg:$0x4] =	wrdreg $0x9  }
0xb1: {  	_ =	task.clear_ibuf [dreg:s7], $0x5FFFF;
	_ =	strace $0x90000046  }
0xb2: {  	s29 =	simm.s32 $0x9;
	_ =	strace $0x80000048  }
0xb3: {  	_ =	swait.ge [sflag:s29], $0x1  }
0xb4: {  	[sflag:s29] =	ssyncadd.s32 $0xFFFFFFFF  }
0xb5: {  	_ =	strace $0x90000048  }
0xb6: {  	_ =	sfence  }
0xb7: {  	s30 =	sld [smem:$0x0];
	_ =	sdelay $0x2  }
0xb8: {  	s31 =	sshll.u32 s1, $0xD;
	s1 =	sshrl.u32 s1, $0x2  }
0xb9: {  	s3 =	sand.u32 $0x4000, s31;
	s1 =	sadd.s32 s1, s30  }
0xba: {  	s0 =	sor.u32 s3, s0;
	s1 =	sshll.u32 s1, $0x11  }
0xbb: {  	s0 =	sor.u32 s1, s0  }
0xbc: {  	s0 =	sadd.s32 $0x8F2B, s0  }
0xbd: {  	[sflag:s0] =	ssyncadd.remote.s32 $0x1  }
0xbe: {  	_ =	sfence.sel $0xFFFF  }
0xbf: {  	[dreg:$0x0] =	wrdreg $0xFFFFFFFF;
	(pc) =	sbr.abs _section_cstart, $3  }
0xc0: {  	[dreg:$0x1] =	wrdreg $0xFFFFFFFF  }
0xc1: {  	_ =	task.clear_ibuf [dreg:s7], $0x2FFFF;
	_ =	strace $0x9FFFFFFF  }
0xc2: {  	(tm) =	ssettm $0x7FFFFFFF  }
0xc3: {  	_ =	shalt  }
tec
execute0_lowered:
.L_overlay_start_1:
0x0: {  	(tag) =	ssettag $0x1  }
0x1: {  	s5 =	rddreg [dreg:$0x0]  }
0x2: {  	s4 =	rddreg [dreg:$0x1]  }
0x3: {  	s3 =	srdreg.scid;
	s0 =	stileid.u32  }
0x4: {  	s2 =	simm.s32 $0x0;
	s9 =	simm.s32 $0x1;
	s11 =	simm.s32 $0x2  }
0x5: {  	s3 =	sand.u32 $0x1, s3;
	s6 =	sshll.u32 s0, $0x1;
	[smem:$0x7FF] =	sst s2  }
0x6: {  	vm0 =	vmmov $0x1;
	s13 =	simm.s32 $0x0;
	s6 =	sor.u32 s3, s6;
	_ =	strace $0x80000047  }
0x7: {  	vm1 =	vcmask $0x308;
	vm2 =	vcmask $0x70C;
	vm3 =	vcmask $0xB10;
	s8 =	ssub.s32 $0x2, s3;
	s7 =	sshll.u32 s6, $0xD;
	s6 =	sshll.u32 s6, $0x9  }
0x8: {  	vm4 =	vcmask $0xF14;
	vm5 =	vcmask $0x1318;
	vm6 =	vcmask $0x171C;
	s3 =	sadd.s32 $0x400, s4;
	s7 =	sadd.s32 s7, s4;
	s30 =	sadd.s32 s5, s6  }
0x9: {  	vm7 =	vcmask $0x1B20;
	vm8 =	vcmask $0x1F24;
	vm9 =	vcmask $0x2328;
	s28 =	sshrl.u32 s8, $0x1;
	s29 =	sadd.s32 $0xF42800, s7;
	[dreg:$0x4] =	wrdreg s30  }
0xa: {  	vm10 =	vcmask $0x272C;
	vm11 =	vcmask $0x2B30;
	vm12 =	vcmask $0x2F34;
	s8 =	ssub.s32 s8, s28;
	s31 =	sadd.s32 $0xF43800, s7;
	[dreg:$0x3] =	wrdreg s29  }
0xb: {  	vm13 =	vcmask $0x3338;
	vm14 =	vcmask $0x373C;
	vm15 =	vmmov $0x7fff;
	s7 =	smax.u32 s8, $0x1;
	s8 =	simm.s32 $0x3;
	[dreg:$0x5] =	wrdreg s31  }
.LBB2_1:
0xc: {  	s0 =	rddreg [dreg:$0x4]  }
0xd: {  	[tilespmem:s2], [sflag:$0x3] =	stream.linear.gather [hbm4b:s0+s2], $0x1000, $0x38;
	[tilespmem:$0x11000] =	vst v63  }
0xe: {  	_ =	swait.ge [sflag:s8], $0x1000  }
0xf: {  	[sflag:s8] =	ssyncset.done $0x0  }
0x10: {  	[sflag:s8] =	ssyncadd.s32 $0xFFFFF000  }
0x11: {  	v0 =	vld [tilespmem:s2+$0x0];
	_ =	sdelay $0x4  }
0x12: {  	v1 =	vsel vm2, $0x0, v0  }
0x13: {  	v2 =	vsel vm3, $0x0, v0;
	(xrf0) =	vadd.scan.msk.s32 $0xffff, v1  }
0x14: {  	v41 =	vsel vm1, $0x0, v0;
	(xrf0) =	vadd.scan.msk.s32 $0xffff, v2  }
0x15: {  	v42 =	vnsel vm0, $0x0, v0;
	(xrf0) =	vadd.scan.msk.s32 $0xffff, v41  }
0x16: {  	(xrf0) =	vadd.scan.msk.s32 $0xffff, v42;
	_ =	sdelay $0x1  }
0x17: {  	v43 =	vsel vm7, $0x0, v0  }
0x18: {  	v3 =	vsel vm8, $0x0, v0;
	v44, _, _ =	vpop (xrf0);
	(xrf0) =	vadd.scan.msk.s32 $0xffff, v43  }
0x19: {  	v46 =	vsel vm5, $0x0, v0;
	(v2sf) =	vpush v44, $0xF;
	v45, _, _ =	vpop (xrf0);
	(xrf0) =	vadd.scan.msk.s32 $0xffff, v3  }
0x1a: {  	v47, _, _ =	vpop (xrf0);
	(v2sf) =	vpush v45, $0xF;
	(xrf0) =	vadd.scan.msk.s32 $0xffff, v46  }
0x1b: {  	v48 =	vsel vm4, $0x0, v0;
	v49, _, _ =	vpop (xrf0);
	(v2sf) =	vpush v47, $0xF  }
0x1c: {  	v50 =	vsel vm9, $0x0, v0;
	(xrf0) =	vadd.scan.msk.s32 $0xffff, v48;
	(v2sf) =	vpush v49, $0xF  }
0x1d: {  	v51 =	vsel vm10, $0x0, v0;
	(xrf0) =	vadd.scan.msk.s32 $0xffff, v50  }
0x1e: {  	v52 =	vsel vm11, $0x0, v0;
	(xrf0) =	vadd.scan.msk.s32 $0xffff, v51;
	v54, _, _ =	vpop (xrf0)  }
0x1f: {  	v53 =	vsel vm12, $0x0, v0;
	(xrf0) =	vadd.scan.msk.s32 $0xffff, v52;
	v4, _, _ =	vpop (xrf0);
	(v2sf) =	vpush v54, $0xF  }
0x20: {  	v55 =	vsel vm13, $0x0, v0;
	(xrf0) =	vadd.scan.msk.s32 $0xffff, v53;
	v5, _, _ =	vpop (xrf0)  }
0x21: {  	v56 =	vsel vm14, $0x0, v0;
	(xrf0) =	vadd.scan.msk.s32 $0xffff, v55;
	(v2sf) =	vpush v5, $0xF  }
0x22: {  	v57 =	vsel vm6, $0x0, v0;
	v58, _, _ =	vpop (xrf0);
	(xrf0) =	vadd.scan.msk.s32 $0xffff, v56  }
0x23: {  	(xrf0) =	vadd.scan.msk.s32 $0xffff, v57;
	v59, _, _ =	vpop (xrf0);
	(v2sf) =	vpush v58, $0xF  }
0x24: {  	v60, _, _ =	vpop (xrf0)  }
0x25: {  	v61, _, _ =	vpop (xrf0)  }
0x26: {  	s14 =	simm.s32 $0x2000;
	v62, _, _ =	vpop (xrf0)  }
0x27: {  	s16 =	simm.s32 $0x0;
	s23 =	simm.s32 $0x1100;
	s24 =	simm.s32 $0x1200;
	v6, _, _ =	vpop (xrf0)  }
0x28: {  	s25 =	simm.s32 $0x1000;
	s26 =	simm.s32 $0x1080;
	v7, _, _ =	vpop (xrf0);
	s20 =	spop (v2sf);
	(v2sf) =	vpush v59, $0xF  }
0x29: {  	s28 =	simm.s32 $0x1280;
	s17 =	simm.s32 $0x1680;
	v63, _, _ =	vpop (xrf0);
	s22 =	spop (v2sf)  }
0x2a: {  	s21 =	simm.s32 $0x1500;
	(v2sf) =	vpush v63, $0xF;
	s20 =	sshll.u32 s20, $0x4;
	s18 =	spop (v2sf)  }
0x2b: {  	s5 =	simm.s32 $0x1180;
	s20 =	sand.u32 $0x1FFFFFF0, s20;
	s15 =	spop (v2sf)  }
0x2c: {  	s22 =	sshll.u32 s22, $0x4;
	s30 =	sshll.u32 s18, $0x4;
	s19 =	sshll.u32 s15, $0x4  }
0x2d: {  	(v2sf) =	vpush v4, $0xF;
	s18 =	simm.s32 $0x1600;
	s20 =	sadd.s32 s3, s20;
	s29 =	sand.u32 $0x1FFFFFF0, s19  }
0x2e: {  	(v2sf) =	vpush v60, $0xF;
	s31 =	sand.u32 $0x1FFFFFF0, s30;
	s12 =	sadd.s32 s3, s29;
	s29 =	spop (v2sf)  }
0x2f: {  	[tilespmem:s25], [sflag:$0x1] =	stream.linear.gather [hbm4b:s12+s2], $0x80, $0x38;
	[tilespmem:$0x11000] =	vst v63  }
0x30: {  	s1 =	sand.u32 $0x1FFFFFF0, s22;
	s25 =	sadd.s32 s3, s31;
	s0 =	spop (v2sf)  }
0x31: {  	(v2sf) =	vpush v61, $0xF;
	[tilespmem:s26], [sflag:$0x1] =	stream.linear.gather [hbm4b:s25+s2], $0x80, $0x38;
	[tilespmem:$0x11000] =	vst v63  }
0x32: {  	s15 =	simm.s32 $0x80;
	s19 =	simm.s32 $0x1580;
	s4 =	spop (v2sf)  }
0x33: {  	s30 =	sshll.u32 s29, $0x4;
	s6 =	sshll.u32 s0, $0x4;
	s22 =	sshll.u32 s4, $0x4  }
0x34: {  	v0 =	vsel vm15, $0x0, v0;
	[tilespmem:s23], [sflag:$0x1] =	stream.linear.gather [hbm4b:s20+s2], $0x80, $0x38;
	[tilespmem:$0x11000] =	vst v63  }
0x35: {  	(xrf0) =	vadd.scan.msk.s32 $0xffff, v0;
	(v2sf) =	vpush v62, $0xF;
	s23 =	simm.s32 $0x1380;
	s20 =	sadd.s32 s3, s1;
	s22 =	sand.u32 $0x1FFFFFF0, s22  }
0x36: {  	[tilespmem:s5], [sflag:$0x1] =	stream.linear.gather [hbm4b:s20+s2], $0x80, $0x38;
	[tilespmem:$0x11000] =	vst v63  }
0x37: {  	s22 =	sadd.s32 s3, s22;
	s20 =	sand.u32 $0x1FFFFFF0, s6;
	s10 =	spop (v2sf)  }
0x38: {  	[tilespmem:s24], [sflag:$0x1] =	stream.linear.gather [hbm4b:s22+s2], $0x80, $0x38;
	[tilespmem:$0x11000] =	vst v63  }
0x39: {  	s20 =	sadd.s32 s3, s20;
	s22 =	simm.s32 $0x1480;
	(v2sf) =	vpush v6, $0xF;
	s12 =	spop (v2sf)  }
0x3a: {  	[tilespmem:s28], [sflag:$0x1] =	stream.linear.gather [hbm4b:s20+s2], $0x80, $0x38;
	[tilespmem:$0x11000] =	vst v63  }
0x3b: {  	s24 =	simm.s32 $0x1400;
	(v2sf) =	vpush v7, $0xF;
	s26 =	sshll.u32 s12, $0x4;
	s28 =	simm.s32 $0x1300  }
0x3c: {  	v0, _, _ =	vpop (xrf0);
	s20 =	sand.u32 $0x1FFFFFF0, s30;
	s31 =	spop (v2sf);
	s26 =	sand.u32 $0x1FFFFFF0, s26  }
0x3d: {  	(v2sf) =	vpush v0, $0xF;
	s25 =	sadd.s32 s3, s20;
	s29 =	spop (v2sf);
	s26 =	sadd.s32 s3, s26  }
0x3e: {  	[tilespmem:s28], [sflag:$0x1] =	stream.linear.gather [hbm4b:s26+s2], $0x80, $0x38;
	[tilespmem:$0x11000] =	vst v63  }
0x3f: {  	s20 =	simm.s32 $0x0;
	s28 =	sshll.u32 s10, $0x4;
	s26 =	sshll.u32 s31, $0x4  }
.LBB2_2:
0x40: {  	s26 =	sand.u32 $0x1FFFFFF0, s26;
	s29 =	sshll.u32 s29, $0x4;
	s30 =	spop (v2sf)  }
0x41: {  	[tilespmem:s23], [sflag:$0x1] =	stream.linear.gather [hbm4b:s25+s20], $0x80, $0x38;
	[tilespmem:$0x11000] =	vst v63  }
0x42: {  	s23 =	sadd.s32 s3, s26;
	s25 =	sand.u32 $0x1FFFFFF0, s28;
	s26 =	sand.u32 $0x1FFFFFF0, s29  }
0x43: {  	[tilespmem:s24], [sflag:$0x1] =	stream.linear.gather [hbm4b:s23+s20], $0x80, $0x38;
	[tilespmem:$0x11000] =	vst v63  }
0x44: {  	s23 =	sadd.s32 s3, s25;
	s24 =	sshll.u32 s30, $0x4;
	s25 =	spop (v2sf)  }
0x45: {  	[tilespmem:s22], [sflag:$0x1] =	stream.linear.gather [hbm4b:s23+s20], $0x80, $0x38;
	[tilespmem:$0x11000] =	vst v63  }
0x46: {  	s22 =	sadd.s32 s3, s26;
	s23 =	sand.u32 $0x1FFFFFF0, s24;
	s24 =	sshll.u32 s25, $0x4  }
0x47: {  	[tilespmem:s21], [sflag:$0x1] =	stream.linear.gather [hbm4b:s22+s20], $0x80, $0x38;
	[tilespmem:$0x11000] =	vst v63  }
0x48: {  	s21 =	sadd.s32 s3, s23;
	s22 =	sand.u32 $0x1FFFFFF0, s24;
	s23 =	spop (v2sf)  }
0x49: {  	[tilespmem:s19], [sflag:$0x1] =	stream.linear.gather [hbm4b:s21+s20], $0x80, $0x38;
	[tilespmem:$0x11000] =	vst v63  }
0x4a: {  	s19 =	sadd.s32 s3, s22;
	s21 =	sshll.u32 s23, $0x4;
	s22 =	spop (v2sf)  }
0x4b: {  	[tilespmem:s18], [sflag:$0x1] =	stream.linear.gather [hbm4b:s19+s20], $0x80, $0x38;
	[tilespmem:$0x11000] =	vst v63  }
0x4c: {  	s18 =	sand.u32 $0x1FFFFFF0, s21;
	s19 =	sshll.u32 s22, $0x4;
	s21 =	spop (v2sf)  }
0x4d: {  	s18 =	sadd.s32 s3, s18;
	s19 =	sand.u32 $0x1FFFFFF0, s19;
	s21 =	sshll.u32 s21, $0x4  }
0x4e: {  	[tilespmem:s17], [sflag:$0x1] =	stream.linear.gather [hbm4b:s18+s20], $0x80, $0x38;
	[tilespmem:$0x11000] =	vst v63  }
0x4f: {  	s17 =	sadd.s32 $0x1700, s16;
	s18 =	sadd.s32 s3, s19;
	s19 =	sand.u32 $0x1FFFFFF0, s21  }
0x50: {  	[tilespmem:s17], [sflag:$0x1] =	stream.linear.gather [hbm4b:s18+s20], $0x80, $0x38;
	[tilespmem:$0x11000] =	vst v63  }
0x51: {  	p0 =	sne.s32 s14, $0x1E000;
	s16 =	sadd.s32 $0x1780, s16;
	s17 =	sadd.s32 s3, s19  }
0x52: {  	[tilespmem:s16], [sflag:$0x1] =	stream.linear.gather [hbm4b:s17+s20], $0x80, $0x38;
	[tilespmem:$0x11000] =	vst v63  }
0x53: {  	s16 =	smov.u32 s14;
	s14 =	sadd.s32 $0x2000, s14;
	v0 =	vld [tilespmem:s15+$0x0];
	_ =	sdelay $0x4  }
0x54: {  	v1 =	vsel vm1, $0x0, v0;
	v2 =	vsel vm2, $0x0, v0;
	v3 =	vsel vm13, $0x0, v0  }
0x55: {  	v4 =	vnsel vm0, $0x0, v0;
	v5 =	vsel vm3, $0x0, v0;
	v6 =	vsel vm14, $0x0, v0;
	(xrf0) =	vadd.scan.msk.s32 $0xffff, v2  }
0x56: {  	v2 =	vsel vm15, $0x0, v0;
	(xrf0) =	vadd.scan.msk.s32 $0xffff, v5  }
0x57: {  	v5 =	vsel vm6, $0x0, v0;
	(xrf0) =	vadd.scan.msk.s32 $0xffff, v1  }
0x58: {  	v1 =	vsel vm7, $0x0, v0;
	(xrf0) =	vadd.scan.msk.s32 $0xffff, v4  }
0x59: {  	v4 =	vsel vm8, $0x0, v0;
	(xrf0) =	vadd.scan.msk.s32 $0xffff, v1  }
0x5a: {  	v1 =	vsel vm5, $0x0, v0;
	(xrf0) =	vadd.scan.msk.s32 $0xffff, v4  }
0x5b: {  	v4 =	vsel vm4, $0x0, v0;
	v7, _, _ =	vpop (xrf0);
	(xrf0) =	vadd.scan.msk.s32 $0xffff, v1  }
0x5c: {  	v1 =	vsel vm9, $0x0, v0;
	(v2sf) =	vpush v7, $0xF;
	v7, _, _ =	vpop (xrf0);
	(xrf0) =	vadd.scan.msk.s32 $0xffff, v4  }
0x5d: {  	v9 =	vsel vm10, $0x0, v0;
	v8, _, _ =	vpop (xrf0);
	(v2sf) =	vpush v7, $0xF;
	(xrf0) =	vadd.scan.msk.s32 $0xffff, v1  }
0x5e: {  	v10 =	vsel vm11, $0x0, v0;
	v7, _, _ =	vpop (xrf0);
	(v2sf) =	vpush v8, $0xF;
	(xrf0) =	vadd.scan.msk.s32 $0xffff, v9  }
0x5f: {  	s16 =	sshra.s32 s16, $0x2;
	v8 =	vsel vm12, $0x0, v0;
	(v2sf) =	vpush v7, $0xF;
	v4, _, _ =	vpop (xrf0);
	(xrf0) =	vadd.scan.msk.s32 $0xffff, v10  }
0x60: {  	s28 =	sadd.s32 $0x1100, s16;
	v1, _, _ =	vpop (xrf0);
	(xrf0) =	vadd.scan.msk.s32 $0xffff, v8  }
0x61: {  	s25 =	sadd.s32 $0x1200, s16;
	v0, _, _ =	vpop (xrf0);
	(v2sf) =	vpush v4, $0xF;
	(xrf0) =	vadd.scan.msk.s32 $0xffff, v3  }
0x62: {  	s30 =	sadd.s32 $0x1000, s16;
	s29 =	sadd.s32 $0x1080, s16;
	v3, _, _ =	vpop (xrf0);
	(v2sf) =	vpush v0, $0xF;
	(xrf0) =	vadd.scan.msk.s32 $0xffff, v6  }
0x63: {  	(xrf0) =	vadd.scan.msk.s32 $0xffff, v5;
	v0, _, _ =	vpop (xrf0)  }
0x64: {  	s26 =	sadd.s32 $0x1280, s16;
	(v2sf) =	vpush v3, $0xF;
	v3, _, _ =	vpop (xrf0);
	(xrf0) =	vadd.scan.msk.s32 $0xffff, v2  }
0x65: {  	v2, _, _ =	vpop (xrf0)  }
0x66: {  	v4, _, _ =	vpop (xrf0)  }
0x67: {  	v5, _, _ =	vpop (xrf0)  }
0x68: {  	(v2sf) =	vpush v0, $0xF;
	v0, _, _ =	vpop (xrf0)  }
0x69: {  	s20 =	simm.s32 $0x0;
	s15 =	sadd.s32 $0x80, s15;
	s17 =	sadd.s32 $0x1680, s16;
	v6, _, _ =	vpop (xrf0)  }
0x6a: {  	s21 =	sadd.s32 $0x1500, s16;
	s19 =	sadd.s32 $0x1580, s16;
	s18 =	sadd.s32 $0x1600, s16;
	(v2sf) =	vpush v6, $0xF;
	v6, _, _ =	vpop (xrf0)  }
0x6b: {  	s23 =	sadd.s32 $0x1380, s16;
	s22 =	sadd.s32 $0x1480, s16;
	s24 =	spop (v2sf)  }
0x6c: {  	s31 =	sshll.u32 s24, $0x4;
	s24 =	sadd.s32 $0x1400, s16;
	s0 =	spop (v2sf)  }
0x6d: {  	s1 =	sadd.s32 $0x1180, s16;
	s31 =	sand.u32 $0x1FFFFFF0, s31;
	s10 =	spop (v2sf)  }
0x6e: {  	s12 =	sadd.s32 $0x1300, s16;
	s10 =	sshll.u32 s10, $0x4;
	s4 =	spop (v2sf);
	(v2sf) =	vpush v1, $0xF  }
0x6f: {  	s0 =	sshll.u32 s0, $0x4;
	s4 =	sshll.u32 s4, $0x4;
	s10 =	sand.u32 $0x1FFFFFF0, s10;
	(v2sf) =	vpush v3, $0xF  }
0x70: {  	s0 =	sand.u32 $0x1FFFFFF0, s0;
	s4 =	sand.u32 $0x1FFFFFF0, s4;
	s5 =	spop (v2sf)  }
0x71: {  	s4 =	sadd.s32 s3, s4;
	s5 =	sshll.u32 s5, $0x4;
	s6 =	spop (v2sf);
	(v2sf) =	vpush v2, $0xF  }
0x72: {  	[tilespmem:s30], [sflag:$0x1] =	stream.linear.gather [hbm4b:s4+s20], $0x80, $0x38;
	[tilespmem:$0x11000] =	vst v63  }
0x73: {  	s4 =	sadd.s32 s3, s10;
	s6 =	sshll.u32 s6, $0x4;
	s10 =	spop (v2sf)  }
0x74: {  	[tilespmem:s29], [sflag:$0x1] =	stream.linear.gather [hbm4b:s4+s20], $0x80, $0x38;
	[tilespmem:$0x11000] =	vst v63  }
0x75: {  	s6 =	sand.u32 $0x1FFFFFF0, s6;
	s4 =	sadd.s32 s3, s31;
	s10 =	sshll.u32 s10, $0x4;
	(v2sf) =	vpush v4, $0xF  }
0x76: {  	[tilespmem:s28], [sflag:$0x1] =	stream.linear.gather [hbm4b:s4+s20], $0x80, $0x38;
	[tilespmem:$0x11000] =	vst v63  }
0x77: {  	s0 =	sadd.s32 s3, s0;
	s4 =	sand.u32 $0x1FFFFFF0, s10;
	s10 =	spop (v2sf)  }
0x78: {  	[tilespmem:s1], [sflag:$0x1] =	stream.linear.gather [hbm4b:s0+s20], $0x80, $0x38;
	[tilespmem:$0x11000] =	vst v63  }
0x79: {  	s0 =	sadd.s32 s3, s4  }
0x7a: {  	s28 =	sshll.u32 s10, $0x4;
	s4 =	sand.u32 $0x1FFFFFF0, s5;
	s1 =	spop (v2sf);
	(v2sf) =	vpush v5, $0xF  }
0x7b: {  	[tilespmem:s25], [sflag:$0x1] =	stream.linear.gather [hbm4b:s0+s20], $0x80, $0x38;
	[tilespmem:$0x11000] =	vst v63  }
.Ltmp0:
0x7c: {  	s0 =	sadd.s32 s3, s6;
	s1 =	sshll.u32 s1, $0x4;
	(v2sf) =	vpush v0, $0xF;
	(pc) =	sbr.rel @p0 .LBB2_2-.Ltmp0, $4  }
0x7d: {  	[tilespmem:s26], [sflag:$0x1] =	stream.linear.gather [hbm4b:s0+s20], $0x80, $0x38;
	[tilespmem:$0x11000] =	vst v63  }
0x7e: {  	s25 =	sadd.s32 s3, s4;
	s0 =	sand.u32 $0x1FFFFFF0, s1;
	s1 =	spop (v2sf);
	(v2sf) =	vpush v6, $0xF  }
0x7f: {  	s0 =	sadd.s32 s3, s0;
	s26 =	sshll.u32 s1, $0x4;
	s29 =	spop (v2sf)  }
0x80: {  	[tilespmem:s12], [sflag:$0x1] =	stream.linear.gather [hbm4b:s0+s20], $0x80, $0x38;
	[tilespmem:$0x11000] =	vst v63  }
0x81: {  	s0 =	sand.u32 $0x1FFFFFF0, s26;
	s1 =	sshll.u32 s29, $0x4;
	s4 =	spop (v2sf)  }
0x82: {  	[tilespmem:s23], [sflag:$0x1] =	stream.linear.gather [hbm4b:s25+s20], $0x80, $0x38;
	[tilespmem:$0x11000] =	vst v63  }
0x83: {  	s5 =	sand.u32 $0x1FFFFFF0, s28;
	s0 =	sadd.s32 s3, s0;
	s1 =	sand.u32 $0x1FFFFFF0, s1  }
0x84: {  	[tilespmem:s24], [sflag:$0x1] =	stream.linear.gather [hbm4b:s0+s20], $0x80, $0x38;
	[tilespmem:$0x11000] =	vst v63  }
0x85: {  	s23 =	sadd.s32 s3, s5;
	s4 =	sshll.u32 s4, $0x4;
	s24 =	spop (v2sf)  }
0x86: {  	[tilespmem:s22], [sflag:$0x1] =	stream.linear.gather [hbm4b:s23+s20], $0x80, $0x38;
	[tilespmem:$0x11000] =	vst v63  }
0x87: {  	s25 =	sadd.s32 s3, s1;
	s26 =	sand.u32 $0x1FFFFFF0, s4;
	s29 =	sshll.u32 s24, $0x4  }
0x88: {  	[tilespmem:s21], [sflag:$0x1] =	stream.linear.gather [hbm4b:s25+s20], $0x80, $0x38;
	[tilespmem:$0x11000] =	vst v63  }
0x89: {  	s5 =	sadd.s32 s3, s26;
	s6 =	sand.u32 $0x1FFFFFF0, s29;
	s10 =	spop (v2sf)  }
0x8a: {  	[tilespmem:s19], [sflag:$0x1] =	stream.linear.gather [hbm4b:s5+s20], $0x80, $0x38;
	[tilespmem:$0x11000] =	vst v63  }
0x8b: {  	s12 =	sadd.s32 s3, s6;
	s14 =	sshll.u32 s10, $0x4  }
0x8c: {  	[tilespmem:s18], [sflag:$0x1] =	stream.linear.gather [hbm4b:s12+s20], $0x80, $0x38;
	[tilespmem:$0x11000] =	vst v63  }
0x8d: {  	s15 =	spop (v2sf);
	s19 =	sand.u32 $0x1FFFFFF0, s14  }
0x8e: {  	s21 =	sshll.u32 s15, $0x4;
	s0 =	sadd.s32 s3, s19;
	s22 =	spop (v2sf)  }
0x8f: {  	[tilespmem:s17], [sflag:$0x1] =	stream.linear.gather [hbm4b:s0+s20], $0x80, $0x38;
	[tilespmem:$0x11000] =	vst v63  }
0x90: {  	s1 =	sand.u32 $0x1FFFFFF0, s21;
	s4 =	sshll.u32 s22, $0x4  }
0x91: {  	s23 =	sadd.s32 $0x1700, s16;
	s1 =	sadd.s32 s3, s1;
	s4 =	sand.u32 $0x1FFFFFF0, s4  }
0x92: {  	[tilespmem:s23], [sflag:$0x1] =	stream.linear.gather [hbm4b:s1+s20], $0x80, $0x38;
	[tilespmem:$0x11000] =	vst v63  }
0x93: {  	s26 =	simm.s32 $0x800;
	s24 =	sadd.s32 $0x1780, s16;
	s25 =	sadd.s32 s3, s4  }
0x94: {  	[tilespmem:s24], [sflag:$0x1] =	stream.linear.gather [hbm4b:s25+s20], $0x80, $0x38;
	[tilespmem:$0x11000] =	vst v63  }
0x95: {  	v0 =	vld [tilespmem:s26+$0x0];
	_ =	sdelay $0x4  }
0x96: {  	v1 =	vnsel vm0, $0x0, v0  }
0x97: {  	v2 =	vsel vm2, $0x0, v0;
	(xrf0) =	vadd.scan.msk.s32 $0xffff, v1  }
0x98: {  	v40 =	vsel vm3, $0x0, v0;
	(xrf0) =	vadd.scan.msk.s32 $0xffff, v2  }
0x99: {  	v41 =	vsel vm1, $0x0, v0;
	(xrf0) =	vadd.scan.msk.s32 $0xffff, v40  }
0x9a: {  	v42 =	vsel vm8, $0x0, v0;
	(xrf0) =	vadd.scan.msk.s32 $0xffff, v41  }
0x9b: {  	v43 =	vsel vm9, $0x0, v0;
	(xrf0) =	vadd.scan.msk.s32 $0xffff, v42  }
0x9c: {  	v44 =	vsel vm5, $0x0, v0;
	(xrf0) =	vadd.scan.msk.s32 $0xffff, v43  }
0x9d: {  	v45 =	vsel vm4, $0x0, v0;
	v3, _, _ =	vpop (xrf0);
	(xrf0) =	vadd.scan.msk.s32 $0xffff, v44  }
0x9e: {  	(v2sf) =	vpush v3, $0xF;
	v46, _, _ =	vpop (xrf0);
	(xrf0) =	vadd.scan.msk.s32 $0xffff, v45  }
0x9f: {  	(v2sf) =	vpush v46, $0xF;
	v47, _, _ =	vpop (xrf0)  }
0xa0: {  	v48, _, _ =	vpop (xrf0);
	(v2sf) =	vpush v47, $0xF  }
0xa1: {  	v49 =	vsel vm10, $0x0, v0;
	(v2sf) =	vpush v48, $0xF;
	v50, _, _ =	vpop (xrf0)  }
0xa2: {  	v51 =	vsel vm11, $0x0, v0;
	(xrf0) =	vadd.scan.msk.s32 $0xffff, v49;
	v52, _, _ =	vpop (xrf0)  }
0xa3: {  	v53 =	vsel vm12, $0x0, v0;
	(xrf0) =	vadd.scan.msk.s32 $0xffff, v51;
	v54, _, _ =	vpop (xrf0)  }
0xa4: {  	v4 =	vsel vm13, $0x0, v0;
	(v2sf) =	vpush v50, $0xF;
	(xrf0) =	vadd.scan.msk.s32 $0xffff, v53;
	v55, _, _ =	vpop (xrf0)  }
0xa5: {  	v5 =	vsel vm14, $0x0, v0;
	(xrf0) =	vadd.scan.msk.s32 $0xffff, v4;
	(v2sf) =	vpush v55, $0xF  }
0xa6: {  	v56 =	vsel vm6, $0x0, v0;
	(xrf0) =	vadd.scan.msk.s32 $0xffff, v5  }
0xa7: {  	(xrf0) =	vadd.scan.msk.s32 $0xffff, v56  }
0xa8: {  	v57 =	vsel vm7, $0x0, v0;
	v58, _, _ =	vpop (xrf0);
	(v2sf) =	vpush v54, $0xF  }
0xa9: {  	v59, _, _ =	vpop (xrf0);
	(xrf0) =	vadd.scan.msk.s32 $0xffff, v57  }
0xaa: {  	s16 =	simm.s32 $0x880;
	s6 =	simm.s32 $0x9280;
	s5 =	simm.s32 $0x9080;
	(v2sf) =	vpush v58, $0xF;
	v60, _, _ =	vpop (xrf0)  }
0xab: {  	s14 =	simm.s32 $0x2000;
	s18 =	simm.s32 $0x9600;
	s15 =	simm.s32 $0x0;
	v61, _, _ =	vpop (xrf0)  }
0xac: {  	s19 =	simm.s32 $0x9380;
	s0 =	simm.s32 $0x9100;
	s21 =	simm.s32 $0x9300;
	(v2sf) =	vpush v52, $0xF;
	v5, _, _ =	vpop (xrf0)  }
0xad: {  	s17 =	simm.s32 $0x9680;
	s22 =	simm.s32 $0x9500;
	v62, _, _ =	vpop (xrf0);
	s10 =	spop (v2sf)  }
0xae: {  	s1 =	simm.s32 $0x9200;
	s23 =	simm.s32 $0x9480;
	(v2sf) =	vpush v62, $0xF;
	s12 =	spop (v2sf)  }
0xaf: {  	s4 =	simm.s32 $0x9000;
	v63, _, _ =	vpop (xrf0);
	s10 =	sshll.u32 s10, $0x4;
	s29 =	spop (v2sf)  }
0xb0: {  	(v2sf) =	vpush v63, $0xF;
	s10 =	sand.u32 $0x1FFFFFF0, s10;
	s12 =	sshll.u32 s12, $0x4;
	s26 =	spop (v2sf)  }
0xb1: {  	s10 =	sadd.s32 s3, s10;
	s12 =	sand.u32 $0x1FFFFFF0, s12;
	s25 =	sshll.u32 s26, $0x4  }
0xb2: {  	[tilespmem:s4], [sflag:$0x2] =	stream.linear.gather [hbm4b:s10+s2], $0x80, $0x38;
	[tilespmem:$0x11000] =	vst v63  }
0xb3: {  	s24 =	sshll.u32 s29, $0x4;
	s29 =	spop (v2sf);
	(v2sf) =	vpush v59, $0xF;
	s25 =	sand.u32 $0x1FFFFFF0, s25  }
0xb4: {  	s26 =	sshll.u32 s29, $0x4;
	s25 =	sadd.s32 s3, s25;
	s29 =	spop (v2sf)  }
0xb5: {  	[tilespmem:s5], [sflag:$0x2] =	stream.linear.gather [hbm4b:s25+s2], $0x80, $0x38;
	[tilespmem:$0x11000] =	vst v63  }
0xb6: {  	v0 =	vsel vm15, $0x0, v0;
	s28 =	sand.u32 $0x1FFFFFF0, s24;
	s10 =	simm.s32 $0x9180;
	s4 =	sshll.u32 s29, $0x4  }
0xb7: {  	(xrf0) =	vadd.scan.msk.s32 $0xffff, v0;
	s12 =	sadd.s32 s3, s12;
	(v2sf) =	vpush v60, $0xF;
	s29 =	spop (v2sf);
	s4 =	sand.u32 $0x1FFFFFF0, s4  }
0xb8: {  	[tilespmem:s0], [sflag:$0x2] =	stream.linear.gather [hbm4b:s12+s2], $0x80, $0x38;
	[tilespmem:$0x11000] =	vst v63  }
0xb9: {  	(v2sf) =	vpush v61, $0xF;
	s5 =	sshll.u32 s29, $0x4;
	s25 =	spop (v2sf);
	s29 =	sadd.s32 s3, s28  }
0xba: {  	[tilespmem:s10], [sflag:$0x2] =	stream.linear.gather [hbm4b:s29+s2], $0x80, $0x38;
	[tilespmem:$0x11000] =	vst v63  }
0xbb: {  	s0 =	sand.u32 $0x1FFFFFF0, s5;
	s4 =	sadd.s32 s3, s4;
	s10 =	spop (v2sf)  }
0xbc: {  	[tilespmem:s1], [sflag:$0x2] =	stream.linear.gather [hbm4b:s4+s2], $0x80, $0x38;
	[tilespmem:$0x11000] =	vst v63  }
0xbd: {  	s20 =	simm.s32 $0x9580;
	s0 =	sadd.s32 s3, s0;
	s12 =	spop (v2sf);
	(v2sf) =	vpush v5, $0xF  }
0xbe: {  	v0, _, _ =	vpop (xrf0);
	[tilespmem:s6], [sflag:$0x2] =	stream.linear.gather [hbm4b:s0+s2], $0x80, $0x38;
	[tilespmem:$0x11000] =	vst v63  }
0xbf: {  	s24 =	simm.s32 $0x9400;
	s5 =	sshll.u32 s25, $0x4;
	s29 =	spop (v2sf);
	(v2sf) =	vpush v0, $0xF  }
0xc0: {  	s26 =	sand.u32 $0x1FFFFFF0, s26;
	s30 =	sand.u32 $0x1FFFFFF0, s5;
	s25 =	sshll.u32 s12, $0x4  }
0xc1: {  	s28 =	sshll.u32 s10, $0x4;
	s25 =	sand.u32 $0x1FFFFFF0, s25;
	s31 =	sshll.u32 s29, $0x4  }
.LBB2_4:
0xc2: {  	s0 =	sadd.s32 s3, s25;
	s1 =	sand.u32 $0x1FFFFFF0, s31;
	s4 =	spop (v2sf)  }
0xc3: {  	[tilespmem:s21], [sflag:$0x2] =	stream.linear.gather [hbm4b:s0+s2], $0x80, $0x38;
	[tilespmem:$0x11000] =	vst v63  }
0xc4: {  	s0 =	sadd.s32 s3, s1;
	s1 =	sand.u32 $0x1FFFFFF0, s28;
	s4 =	sshll.u32 s4, $0x4  }
0xc5: {  	[tilespmem:s19], [sflag:$0x2] =	stream.linear.gather [hbm4b:s0+s2], $0x80, $0x38;
	[tilespmem:$0x11000] =	vst v63  }
0xc6: {  	s4 =	sand.u32 $0x1FFFFFF0, s4;
	s0 =	sadd.s32 s3, s26;
	s5 =	spop (v2sf)  }
0xc7: {  	[tilespmem:s24], [sflag:$0x2] =	stream.linear.gather [hbm4b:s0+s2], $0x80, $0x38;
	[tilespmem:$0x11000] =	vst v63  }
0xc8: {  	s0 =	sadd.s32 s3, s1;
	s1 =	sshll.u32 s5, $0x4;
	s5 =	spop (v2sf)  }
0xc9: {  	[tilespmem:s23], [sflag:$0x2] =	stream.linear.gather [hbm4b:s0+s2], $0x80, $0x38;
	[tilespmem:$0x11000] =	vst v63  }
0xca: {  	s1 =	sand.u32 $0x1FFFFFF0, s1;
	s0 =	sadd.s32 s3, s30;
	s5 =	sshll.u32 s5, $0x4  }
0xcb: {  	[tilespmem:s22], [sflag:$0x2] =	stream.linear.gather [hbm4b:s0+s2], $0x80, $0x38;
	[tilespmem:$0x11000] =	vst v63  }
0xcc: {  	s0 =	sadd.s32 s3, s4;
	s4 =	sand.u32 $0x1FFFFFF0, s5;
	s5 =	spop (v2sf)  }
0xcd: {  	[tilespmem:s20], [sflag:$0x2] =	stream.linear.gather [hbm4b:s0+s2], $0x80, $0x38;
	[tilespmem:$0x11000] =	vst v63  }
0xce: {  	s0 =	sadd.s32 s3, s1;
	s1 =	sshll.u32 s5, $0x4;
	s5 =	spop (v2sf)  }
0xcf: {  	[tilespmem:s18], [sflag:$0x2] =	stream.linear.gather [hbm4b:s0+s2], $0x80, $0x38;
	[tilespmem:$0x11000] =	vst v63  }
0xd0: {  	s1 =	sand.u32 $0x1FFFFFF0, s1;
	s0 =	sadd.s32 s3, s4;
	s4 =	sshll.u32 s5, $0x4  }
0xd1: {  	[tilespmem:s17], [sflag:$0x2] =	stream.linear.gather [hbm4b:s0+s2], $0x80, $0x38;
	[tilespmem:$0x11000] =	vst v63  }
0xd2: {  	s1 =	sadd.s32 s3, s1;
	s4 =	sand.u32 $0x1FFFFFF0, s4;
	s0 =	sadd.s32 $0x9700, s15  }
0xd3: {  	[tilespmem:s0], [sflag:$0x2] =	stream.linear.gather [hbm4b:s1+s2], $0x80, $0x38;
	[tilespmem:$0x11000] =	vst v63  }
0xd4: {  	p0 =	sne.s32 s14, $0x1E000;
	s0 =	sadd.s32 $0x9780, s15;
	s1 =	sadd.s32 s3, s4  }
0xd5: {  	[tilespmem:s0], [sflag:$0x2] =	stream.linear.gather [hbm4b:s1+s2], $0x80, $0x38;
	[tilespmem:$0x11000] =	vst v63  }
0xd6: {  	s0 =	smov.u32 s14;
	s14 =	sadd.s32 $0x2000, s14;
	v0 =	vld [tilespmem:s16+$0x0];
	_ =	sdelay $0x4  }
0xd7: {  	v1 =	vnsel vm0, $0x0, v0;
	v2 =	vsel vm3, $0x0, v0;
	v3 =	vsel vm14, $0x0, v0  }
0xd8: {  	v4 =	vsel vm2, $0x0, v0;
	v5 =	vsel vm15, $0x0, v0;
	(xrf0) =	vadd.scan.msk.s32 $0xffff, v1  }
0xd9: {  	v6 =	vsel vm6, $0x0, v0;
	v1 =	vsel vm1, $0x0, v0;
	(xrf0) =	vadd.scan.msk.s32 $0xffff, v4  }
0xda: {  	v4 =	vsel vm7, $0x0, v0;
	(xrf0) =	vadd.scan.msk.s32 $0xffff, v2  }
0xdb: {  	v2 =	vsel vm8, $0x0, v0;
	(xrf0) =	vadd.scan.msk.s32 $0xffff, v1  }
0xdc: {  	v1 =	vsel vm9, $0x0, v0;
	(xrf0) =	vadd.scan.msk.s32 $0xffff, v2  }
0xdd: {  	v2 =	vsel vm5, $0x0, v0;
	(xrf0) =	vadd.scan.msk.s32 $0xffff, v1  }
0xde: {  	v1 =	vsel vm4, $0x0, v0;
	v7, _, _ =	vpop (xrf0);
	(xrf0) =	vadd.scan.msk.s32 $0xffff, v2  }
0xdf: {  	v2 =	vsel vm10, $0x0, v0;
	(v2sf) =	vpush v7, $0xF;
	v7, _, _ =	vpop (xrf0);
	(xrf0) =	vadd.scan.msk.s32 $0xffff, v1  }
0xe0: {  	v9 =	vsel vm11, $0x0, v0;
	(v2sf) =	vpush v7, $0xF;
	v7, _, _ =	vpop (xrf0);
	(xrf0) =	vadd.scan.msk.s32 $0xffff, v2  }
0xe1: {  	s15 =	sshra.s32 s0, $0x2;
	v2 =	vsel vm12, $0x0, v0;
	v8, _, _ =	vpop (xrf0);
	(v2sf) =	vpush v7, $0xF;
	(xrf0) =	vadd.scan.msk.s32 $0xffff, v9  }
0xe2: {  	s28 =	sadd.s32 $0x9100, s15;
	v7 =	vsel vm13, $0x0, v0;
	(v2sf) =	vpush v8, $0xF;
	v1, _, _ =	vpop (xrf0);
	(xrf0) =	vadd.scan.msk.s32 $0xffff, v2  }
0xe3: {  	s25 =	sadd.s32 $0x9200, s15;
	s19 =	sadd.s32 $0x9380, s15;
	(v2sf) =	vpush v1, $0xF;
	v1, _, _ =	vpop (xrf0);
	(xrf0) =	vadd.scan.msk.s32 $0xffff, v7  }
0xe4: {  	s0 =	sadd.s32 $0x9000, s15;
	s30 =	sadd.s32 $0x9080, s15;
	v0, _, _ =	vpop (xrf0);
	(xrf0) =	vadd.scan.msk.s32 $0xffff, v3  }
0xe5: {  	s21 =	sadd.s32 $0x9300, s15;
	v2, _, _ =	vpop (xrf0);
	(xrf0) =	vadd.scan.msk.s32 $0xffff, v6  }
0xe6: {  	s29 =	sadd.s32 $0x9280, s15;
	(v2sf) =	vpush v2, $0xF;
	(xrf0) =	vadd.scan.msk.s32 $0xffff, v4;
	v2, _, _ =	vpop (xrf0)  }
0xe7: {  	(v2sf) =	vpush v0, $0xF;
	v0, _, _ =	vpop (xrf0);
	(xrf0) =	vadd.scan.msk.s32 $0xffff, v5  }
0xe8: {  	(v2sf) =	vpush v2, $0xF;
	v2, _, _ =	vpop (xrf0)  }
0xe9: {  	v3, _, _ =	vpop (xrf0)  }
0xea: {  	v4, _, _ =	vpop (xrf0)  }
0xeb: {  	v5, _, _ =	vpop (xrf0);
	(v2sf) =	vpush v1, $0xF  }
0xec: {  	v1, _, _ =	vpop (xrf0)  }
0xed: {  	s16 =	sadd.s32 $0x80, s16;
	s18 =	sadd.s32 $0x9600, s15;
	s17 =	sadd.s32 $0x9680, s15;
	(v2sf) =	vpush v5, $0xF;
	v5, _, _ =	vpop (xrf0)  }
0xee: {  	s22 =	sadd.s32 $0x9500, s15;
	s20 =	sadd.s32 $0x9580, s15;
	s1 =	spop (v2sf)  }
0xef: {  	s23 =	sadd.s32 $0x9480, s15;
	s1 =	sshll.u32 s1, $0x4;
	s4 =	spop (v2sf);
	(v2sf) =	vpush v1, $0xF  }
0xf0: {  	s1 =	sand.u32 $0x1FFFFFF0, s1;
	s4 =	sshll.u32 s4, $0x4;
	s5 =	spop (v2sf)  }
0xf1: {  	s1 =	sadd.s32 s3, s1;
	s4 =	sand.u32 $0x1FFFFFF0, s4;
	s6 =	spop (v2sf)  }
0xf2: {  	s5 =	sshll.u32 s5, $0x4;
	s6 =	sshll.u32 s6, $0x4;
	s10 =	spop (v2sf)  }
0xf3: {  	s5 =	sand.u32 $0x1FFFFFF0, s5;
	s6 =	sand.u32 $0x1FFFFFF0, s6;
	s10 =	sshll.u32 s10, $0x4;
	(v2sf) =	vpush v0, $0xF  }
0xf4: {  	[tilespmem:s0], [sflag:$0x2] =	stream.linear.gather [hbm4b:s1+s2], $0x80, $0x38;
	[tilespmem:$0x11000] =	vst v63  }
0xf5: {  	s24 =	sadd.s32 $0x9400, s15;
	s26 =	sand.u32 $0x1FFFFFF0, s10;
	s0 =	spop (v2sf)  }
0xf6: {  	s1 =	sadd.s32 $0x9180, s15;
	s0 =	sshll.u32 s0, $0x4;
	s10 =	spop (v2sf)  }
0xf7: {  	s0 =	sand.u32 $0x1FFFFFF0, s0;
	s10 =	sshll.u32 s10, $0x4;
	s12 =	spop (v2sf);
	(v2sf) =	vpush v2, $0xF  }
0xf8: {  	s6 =	sadd.s32 s3, s6;
	s10 =	sand.u32 $0x1FFFFFF0, s10;
	s12 =	sshll.u32 s12, $0x4  }
0xf9: {  	[tilespmem:s30], [sflag:$0x2] =	stream.linear.gather [hbm4b:s6+s2], $0x80, $0x38;
	(v2sf) =	vpush v3, $0xF;
	[tilespmem:$0x11000] =	vst v63  }
0xfa: {  	s4 =	sadd.s32 s3, s4;
	s30 =	sand.u32 $0x1FFFFFF0, s12;
	s6 =	spop (v2sf)  }
0xfb: {  	[tilespmem:s28], [sflag:$0x2] =	stream.linear.gather [hbm4b:s4+s2], $0x80, $0x38;
	[tilespmem:$0x11000] =	vst v63  }
0xfc: {  	s4 =	sadd.s32 s3, s5;
	s28 =	sshll.u32 s6, $0x4;
	s5 =	spop (v2sf)  }
0xfd: {  	[tilespmem:s1], [sflag:$0x2] =	stream.linear.gather [hbm4b:s4+s2], $0x80, $0x38;
	[tilespmem:$0x11000] =	vst v63  }
.Ltmp1:
0xfe: {  	(v2sf) =	vpush v4, $0xF;
	(pc) =	sbr.rel @p0 .LBB2_4-.Ltmp1, $4  }
0xff: {  	s0 =	sadd.s32 s3, s0;
	s1 =	sshll.u32 s5, $0x4;
	s4 =	spop (v2sf)  }
0x100: {  	[tilespmem:s25], [sflag:$0x2] =	stream.linear.gather [hbm4b:s0+s2], $0x80, $0x38;
	(v2sf) =	vpush v5, $0xF;
	[tilespmem:$0x11000] =	vst v63  }
0x101: {  	s0 =	sadd.s32 s3, s10;
	s25 =	sand.u32 $0x1FFFFFF0, s1;
	s31 =	sshll.u32 s4, $0x4  }
0x102: {  	[tilespmem:s29], [sflag:$0x2] =	stream.linear.gather [hbm4b:s0+s2], $0x80, $0x38;
	[tilespmem:$0x11000] =	vst v63  }
0x103: {  	s0 =	sadd.s32 s3, s25;
	s1 =	sand.u32 $0x1FFFFFF0, s31;
	s4 =	spop (v2sf)  }
0x104: {  	[tilespmem:s21], [sflag:$0x2] =	stream.linear.gather [hbm4b:s0+s2], $0x80, $0x38;
	[tilespmem:$0x11000] =	vst v63  }
0x105: {  	s29 =	sand.u32 $0x1FFFFFF0, s28;
	s31 =	sadd.s32 s3, s26;
	s25 =	sadd.s32 s3, s1  }
0x106: {  	[tilespmem:s19], [sflag:$0x2] =	stream.linear.gather [hbm4b:s25+s2], $0x80, $0x38;
	[tilespmem:$0x11000] =	vst v63  }
0x107: {  	s10 =	sadd.s32 s3, s30;
	s4 =	sshll.u32 s4, $0x4;
	s5 =	spop (v2sf)  }
0x108: {  	[tilespmem:s24], [sflag:$0x2] =	stream.linear.gather [hbm4b:s31+s2], $0x80, $0x38;
	[tilespmem:$0x11000] =	vst v63  }
0x109: {  	s1 =	sadd.s32 s3, s29;
	s5 =	sshll.u32 s5, $0x4;
	s6 =	spop (v2sf)  }
0x10a: {  	[tilespmem:s23], [sflag:$0x2] =	stream.linear.gather [hbm4b:s1+s2], $0x80, $0x38;
	[tilespmem:$0x11000] =	vst v63  }
0x10b: {  	s4 =	sand.u32 $0x1FFFFFF0, s4;
	s1 =	sand.u32 $0x1FFFFFF0, s5;
	s5 =	sshll.u32 s6, $0x4  }
0x10c: {  	[tilespmem:s22], [sflag:$0x2] =	stream.linear.gather [hbm4b:s10+s2], $0x80, $0x38;
	[tilespmem:$0x11000] =	vst v63  }
0x10d: {  	s12 =	sadd.s32 s3, s4;
	s14 =	sand.u32 $0x1FFFFFF0, s5;
	s16 =	spop (v2sf)  }
0x10e: {  	[tilespmem:s20], [sflag:$0x2] =	stream.linear.gather [hbm4b:s12+s2], $0x80, $0x38;
	[tilespmem:$0x11000] =	vst v63  }
0x10f: {  	s19 =	sadd.s32 s3, s1;
	s20 =	sshll.u32 s16, $0x4;
	s21 =	spop (v2sf)  }
0x110: {  	[tilespmem:s18], [sflag:$0x2] =	stream.linear.gather [hbm4b:s19+s2], $0x80, $0x38;
	[tilespmem:$0x11000] =	vst v63  }
0x111: {  	s22 =	sadd.s32 s3, s14;
	s1 =	sand.u32 $0x1FFFFFF0, s20;
	s23 =	sshll.u32 s21, $0x4  }
0x112: {  	[tilespmem:s17], [sflag:$0x2] =	stream.linear.gather [hbm4b:s22+s2], $0x80, $0x38;
	[tilespmem:$0x11000] =	vst v63  }
0x113: {  	s24 =	sadd.s32 $0x9700, s15;
	s1 =	sadd.s32 s3, s1;
	s4 =	sand.u32 $0x1FFFFFF0, s23  }
0x114: {  	[tilespmem:s24], [sflag:$0x2] =	stream.linear.gather [hbm4b:s1+s2], $0x80, $0x38;
	[tilespmem:$0x11000] =	vst v63  }
0x115: {  	s25 =	sadd.s32 $0x9780, s15;
	s26 =	sadd.s32 s3, s4  }
0x116: {  	[tilespmem:s25], [sflag:$0x2] =	stream.linear.gather [hbm4b:s26+s2], $0x80, $0x38;
	[tilespmem:$0x11000] =	vst v63  }
0x117: {  	_ =	swait.ge [sflag:s9], $0x8000  }
0x118: {  	[sflag:s9] =	ssyncset.done $0x0  }
0x119: {  	s29 =	simm.s32 $0x1000;
	s28 =	rddreg [dreg:$0x3];
	[sflag:s9] =	ssyncadd.s32 $0xFFFF8000  }
0x11a: {  	[hbm4b:s28+s2] =	stream.linear.scatter [tilespmem:s29], [sflag:$0x3], $0x8000, $0x38;
	[tilespmem:$0x11000] =	vst v63  }
0x11b: {  	_ =	swait.ge [sflag:s8], $0x8000  }
0x11c: {  	[sflag:s8] =	ssyncset.done $0x0  }
0x11d: {  	[sflag:s8] =	ssyncadd.s32 $0xFFFF8000  }
0x11e: {  	s13 =	sadd.s32 $0x1, s13;
	_ =	swait.ge [sflag:s11], $0x8000  }
0x11f: {  	p0 =	sne.s32 s13, s7;
	s31 =	simm.s32 $0x9000;
	[sflag:s11] =	ssyncset.done $0x0  }
.Ltmp2:
0x120: {  	s30 =	rddreg [dreg:$0x5];
	[sflag:s11] =	ssyncadd.s32 $0xFFFF8000;
	(pc) =	sbr.rel @p0 .LBB2_1-.Ltmp2, $4  }
0x121: {  	[hbm4b:s30+s2] =	stream.linear.scatter [tilespmem:s31], [sflag:$0x3], $0x8000, $0x38;
	[tilespmem:$0x11000] =	vst v63  }
0x122: {  	_ =	swait.ge [sflag:s8], $0x8000  }
0x123: {  	[sflag:s8] =	ssyncset.done $0x0  }
0x124: {  	[sflag:s8] =	ssyncadd.s32 $0xFFFF8000  }
0x125: {  	_ =	sfence.sel $0x180000  }
0x126: {  	[bflag:$0x0] =	sbarrier.arrive $0xFFFF  }
0x127: {  	_ =	strace $0x90000047  }
0x128: {  	s0 =	stileid.u32;
	[bflag:$0x2] =	sbarrier.arrive $0xFFFF  }
0x129: {  	p0 =	sne.s32 s0, $0x0;
	s0 =	rddreg [dreg:$0x2]  }
0x12a: {  	s0 =	sadd.s32 @!p0 $0x100000, s0  }
0x12b: {  	[sflag:s0] =	ssyncadd.tile.s32 @!p0 $0x1;
	_ =	shalt  }
.Lfunc_end2:
_tile_overlayer_lowered:
.L_overlay_start_2:
0x12c: {  	(tag) =	ssettag $0x2  }
0x12d: {  	s0 =	rddreg [dreg:$0x0];
	s2 =	stileid.u32  }
0x12e: {  	s1 =	rddreg [dreg:$0x1];
	p0 =	sne.s32 s2, $0x0  }
0x12f: {  	s3 =	rddreg [dreg:$0x2];
	[bflag:$0x3] =	sbarrier.arrive $0xFFFF;
	s2 =	simm.s32 @!p0 $0x1C03  }
0x130: {  	[timem:s3], [sflag:s2] =	dma.local @!p0 [hbm:s0], s1  }
0x131: {  	s0 =	simm.s32 @!p0 $0x3  }
0x132: {  	_ =	swait.ge @!p0 [sflag:s0], s1  }
0x133: {  	s1 =	ssub.s32 @!p0 $0x0, s1;
	[sflag:s0] =	ssyncset.done @!p0 $0x0  }
0x134: {  	[sflag:s0] =	ssyncadd.s32 @!p0 s1  }
0x135: {  	[bflag:$0x3] =	sbarrier.arrive $0xFFFF  }
0x136: {  	_ =	shalt  }

</sc_bundles>
